<compile_context>
chip_gen: v7x
topology: tpu7x:2x2x1
jax: 0.10.2.dev20260603
libtpu: 0.0.44.dev20260713+nightly
codegen_flags: <defaults>
</compile_context>

<pallas_src>
import jax
import jax.numpy as jnp
import numpy as np
from jax import lax
from jax.experimental import pallas as pl
from jax.experimental.pallas import tpu as pltpu
from jax.experimental.pallas import tpu_sc as plsc

NC = 2
NS = 16
L = 16
NW = NC * NS

H = W = 512
PIX_PER_SAMPLE = H * W
BATCH = 8
TOTAL_PIX = BATCH * PIX_PER_SAMPLE
PIX_PER_WORKER = TOTAL_PIX // NW
CH = 4096
NCHUNK = PIX_PER_WORKER // CH
NPAIR = NCHUNK // 2
NIDX = 512
NSTREAM = CH // NIDX
NVREG = CH // L

MAGIC = np.float32(12582912.0)


def _rne(x):
    return (x + MAGIC) - MAGIC


def _body(tex_hbm, luta_hbm, lutb_hbm, iuv_hbm, out_hbm,
          iuv0, iuv1, iuv2,
          la_e, arows_e, brows_e, t0_e, mf_e, oc0_e, oc1_e, oc2_e,
          la_o, arows_o, brows_o, t0_o, mf_o, oc0_o, oc1_o, oc2_o,
          sem_lut_e, sem_lut_o, sem_tex_e, sem_tex_o):
    wid = lax.axis_index("s") * NC + lax.axis_index("c")
    n = wid // 4
    q = wid % 4
    n_base_f = (n * 3 * PIX_PER_SAMPLE).astype(jnp.float32)
    plane = n * (3 * PIX_PER_SAMPLE)

    tex_c1 = tex_hbm.at[pl.ds(PIX_PER_SAMPLE, 23 * PIX_PER_SAMPLE)]
    tex_c2 = tex_hbm.at[pl.ds(2 * PIX_PER_SAMPLE, 22 * PIX_PER_SAMPLE)]

    def fire(tbl, idx_ref, dst_ref, sem):
        def go(j, _):
            pltpu.async_copy(tbl.at[idx_ref.at[pl.ds(j * NIDX, NIDX)]],
                             dst_ref.at[pl.ds(j * NIDX, NIDX)], sem)
            return 0
        lax.fori_loop(0, NSTREAM, go, 0)

    def drain(tbl, idx_ref, dst_ref, sem):
        def go(j, _):
            pltpu.make_async_copy(
                tbl.at[idx_ref.at[pl.ds(j * NIDX, NIDX)]],
                dst_ref.at[pl.ds(j * NIDX, NIDX)], sem).wait()
            return 0
        lax.fori_loop(0, NSTREAM, go, 0)

    def load_and_pass_a(c, la, mf):
        base = q * PIX_PER_WORKER + c * CH
        pltpu.sync_copy(iuv_hbm.at[pl.ds(plane + base, CH)], iuv0)
        pltpu.sync_copy(iuv_hbm.at[pl.ds(plane + PIX_PER_SAMPLE + base, CH)],
                        iuv1)
        pltpu.sync_copy(iuv_hbm.at[pl.ds(plane + 2 * PIX_PER_SAMPLE + base,
                                         CH)], iuv2)

        def pass_a(i, _):
            s = pl.ds(i * L, L)
            p0 = iuv0[s]
            p1 = iuv1[s]
            p2 = iuv2[s]
            part = jnp.where(p0 > 0, p0 - 1, 0)
            la[s] = (part << 16) | (p2 << 8) | p1
            mf[s] = jnp.where(p0 > 0, np.float32(1.0), np.float32(0.0))
            return 0
        lax.fori_loop(0, NVREG, pass_a, 0)

    def pass_b(arows, brows, t0):
        def go(i, _):
            s = pl.ds(i * L, L)
            a = arows[s]
            b = brows[s]
            u_i = _rne(a * np.float32(511.0))
            v_i = _rne((np.float32(1.0) - b) * np.float32(511.0))
            tf = v_i * np.float32(512.0) + u_i + n_base_f
            t0[s] = tf.astype(jnp.int32)
            return 0
        lax.fori_loop(0, NVREG, go, 0)

    def pass_c_and_out(c, mf, oc0, oc1, oc2):
        def go(i, _):
            s = pl.ds(i * L, L)
            m = mf[s]
            oc0[s] = oc0[s] * m
            oc1[s] = oc1[s] * m
            oc2[s] = oc2[s] * m
            return 0
        lax.fori_loop(0, NVREG, go, 0)
        base = q * PIX_PER_WORKER + c * CH
        pltpu.sync_copy(oc0, out_hbm.at[pl.ds(plane + base, CH)])
        pltpu.sync_copy(oc1, out_hbm.at[pl.ds(plane + PIX_PER_SAMPLE + base,
                                              CH)])
        pltpu.sync_copy(oc2, out_hbm.at[pl.ds(plane + 2 * PIX_PER_SAMPLE
                                              + base, CH)])

    load_and_pass_a(0, la_e, mf_e)
    fire(luta_hbm, la_e, arows_e, sem_lut_e)
    fire(lutb_hbm, la_e, brows_e, sem_lut_e)
    load_and_pass_a(1, la_o, mf_o)
    fire(luta_hbm, la_o, arows_o, sem_lut_o)
    fire(lutb_hbm, la_o, brows_o, sem_lut_o)

    def pair_body(k, _):
        ce = 2 * k
        co = 2 * k + 1

        drain(luta_hbm, la_e, arows_e, sem_lut_e)
        drain(lutb_hbm, la_e, brows_e, sem_lut_e)
        pass_b(arows_e, brows_e, t0_e)
        fire(tex_hbm, t0_e, oc0_e, sem_tex_e)
        fire(tex_c1, t0_e, oc1_e, sem_tex_e)
        fire(tex_c2, t0_e, oc2_e, sem_tex_e)

        drain(luta_hbm, la_o, arows_o, sem_lut_o)
        drain(lutb_hbm, la_o, brows_o, sem_lut_o)
        pass_b(arows_o, brows_o, t0_o)
        fire(tex_hbm, t0_o, oc0_o, sem_tex_o)
        fire(tex_c1, t0_o, oc1_o, sem_tex_o)
        fire(tex_c2, t0_o, oc2_o, sem_tex_o)

        drain(tex_hbm, t0_e, oc0_e, sem_tex_e)
        drain(tex_c1, t0_e, oc1_e, sem_tex_e)
        drain(tex_c2, t0_e, oc2_e, sem_tex_e)
        pass_c_and_out(ce, mf_e, oc0_e, oc1_e, oc2_e)

        @pl.when(k < NPAIR - 1)
        def _():
            load_and_pass_a(ce + 2, la_e, mf_e)
            fire(luta_hbm, la_e, arows_e, sem_lut_e)
            fire(lutb_hbm, la_e, brows_e, sem_lut_e)

        drain(tex_hbm, t0_o, oc0_o, sem_tex_o)
        drain(tex_c1, t0_o, oc1_o, sem_tex_o)
        drain(tex_c2, t0_o, oc2_o, sem_tex_o)
        pass_c_and_out(co, mf_o, oc0_o, oc1_o, oc2_o)

        @pl.when(k < NPAIR - 1)
        def _():
            load_and_pass_a(co + 2, la_o, mf_o)
            fire(luta_hbm, la_o, arows_o, sem_lut_o)
            fire(lutb_hbm, la_o, brows_o, sem_lut_o)
        return 0

    lax.fori_loop(0, NPAIR, pair_body, 0)


@jax.jit
def kernel(img_or_tex, iuv_img, lut):
    tex = img_or_tex.reshape(BATCH * 3 * PIX_PER_SAMPLE)
    lut_a = lut[..., 0].reshape(24 * 256 * 256)
    lut_b = lut[..., 1].reshape(24 * 256 * 256)
    iuv = (iuv_img.reshape(BATCH, 3, 64, 8, 4, 128)
           .transpose(0, 1, 2, 4, 3, 5)
           .reshape(BATCH * 3 * PIX_PER_SAMPLE))

    mesh = plsc.VectorSubcoreMesh(
        core_axis_name="c", subcore_axis_name="s",
        num_cores=NC, num_subcores=NS)
    dbl = [
        pltpu.VMEM((CH,), jnp.int32),
        pltpu.VMEM((CH,), jnp.float32),
        pltpu.VMEM((CH,), jnp.float32),
        pltpu.VMEM((CH,), jnp.int32),
        pltpu.VMEM((CH,), jnp.float32),
        pltpu.VMEM((CH,), jnp.float32),
        pltpu.VMEM((CH,), jnp.float32),
        pltpu.VMEM((CH,), jnp.float32),
    ]
    run = pl.kernel(
        _body,
        out_type=jax.ShapeDtypeStruct((BATCH * 3 * PIX_PER_SAMPLE,),
                                      jnp.float32),
        mesh=mesh,
        compiler_params=pltpu.CompilerParams(
            needs_layout_passes=False, use_tc_tiling_on_sc=False,
            disable_bounds_checks=True),
        scratch_types=(
            [pltpu.VMEM((CH,), jnp.int32)] * 3
            + dbl + dbl
            + [pltpu.SemaphoreType.DMA] * 4
        ),
    )
    out = run(tex, lut_a, lut_b, iuv)
    return (out.reshape(BATCH, 3, 64, 4, 8, 128)
            .transpose(0, 1, 2, 4, 3, 5)
            .reshape(BATCH, 3, H, W))

# --- scband reference (transcript-rebuilt; emitter-appended) ---
"""Pipeline reference for scband-map-dense-pose-tex-module-22101901705512 (READ-ONLY COPY).

The authoritative reference and input builder live on the scoring server;
editing this copy changes nothing except your own understanding.
"""

import jax, jax.numpy as jnp
import numpy as np

TEX_RES = 512

def setup_inputs(seed: int = 0) -> dict:
    key = jax.random.key(seed)
    k1, k2, k3 = jax.random.split(key, 3)
    img_or_tex = jax.random.normal(k1, (8, 3, 512, 512), dtype=jnp.float32)
    iuv_img = jax.random.randint(k2, (8, 3, 512, 512), 0, 25, dtype=jnp.int32)
    lut = jax.random.uniform(k3, (24, 256, 256, 2), dtype=jnp.float32)
    return {"img_or_tex": img_or_tex, "iuv_img": iuv_img, "lut": lut}

def reference(img_or_tex, iuv_img, lut):
    tex_res = TEX_RES
    def per_sample(tex, iuv):
        # mask of foreground pixels (part id > 0)
        mask = iuv[0] > 0  # [H, W]
        # part index: i = part_id - 1; safe index 0 where background (masked away)
        i = jnp.where(mask, iuv[0] - 1, 0)
        u = jnp.clip(iuv[1].astype(jnp.float32) / 255.0, 0.0, 1.0)
        v = jnp.clip(iuv[2].astype(jnp.float32) / 255.0, 0.0, 1.0)
        vi = jnp.round(v * 255.0).astype(jnp.int32)
        ui = jnp.round(u * 255.0).astype(jnp.int32)
        # gather SMPL uv coords from lookup table: [H, W, 2]
        uv_smpl = lut[i, vi, ui]
        u_I = jnp.round(uv_smpl[..., 0] * (tex_res - 1)).astype(jnp.int32)
        v_I = jnp.round((1.0 - uv_smpl[..., 1]) * (tex_res - 1)).astype(jnp.int32)
        # gather texture pixels: tex [C, tex_res, tex_res] -> [C, H, W]
        gathered = tex[:, v_I, u_I]
        # masked scatter == per-pixel where (zeros where background)
        return jnp.where(mask[None, :, :], gathered, 0.0)
    return jax.vmap(per_sample)(img_or_tex, iuv_img)

if __name__ == "__main__":
    import jax
    _d = setup_inputs()
    print(jax.jit(kernel)(*tuple(_d.values())))

</pallas_src>

<mosaic_0001>
#map = affine_map<(d0, d1) -> (0)>
module attributes {stable_mosaic.version = 14 : i64} {
  func.func @_body(%arg0: i32, %arg1: i32, %arg2: memref<6291456xf32, #tpu.memory_space<hbm>>, %arg3: memref<1572864xf32, #tpu.memory_space<hbm>>, %arg4: memref<1572864xf32, #tpu.memory_space<hbm>>, %arg5: memref<6291456xi32, #tpu.memory_space<hbm>>, %arg6: memref<6291456xf32, #tpu.memory_space<hbm>>, %arg7: memref<4096xi32, #tpu.memory_space<vmem>>, %arg8: memref<4096xi32, #tpu.memory_space<vmem>>, %arg9: memref<4096xi32, #tpu.memory_space<vmem>>, %arg10: memref<4096xi32, #tpu.memory_space<vmem>>, %arg11: memref<4096xf32, #tpu.memory_space<vmem>>, %arg12: memref<4096xf32, #tpu.memory_space<vmem>>, %arg13: memref<4096xi32, #tpu.memory_space<vmem>>, %arg14: memref<4096xf32, #tpu.memory_space<vmem>>, %arg15: memref<4096xf32, #tpu.memory_space<vmem>>, %arg16: memref<4096xf32, #tpu.memory_space<vmem>>, %arg17: memref<4096xf32, #tpu.memory_space<vmem>>, %arg18: memref<4096xi32, #tpu.memory_space<vmem>>, %arg19: memref<4096xf32, #tpu.memory_space<vmem>>, %arg20: memref<4096xf32, #tpu.memory_space<vmem>>, %arg21: memref<4096xi32, #tpu.memory_space<vmem>>, %arg22: memref<4096xf32, #tpu.memory_space<vmem>>, %arg23: memref<4096xf32, #tpu.memory_space<vmem>>, %arg24: memref<4096xf32, #tpu.memory_space<vmem>>, %arg25: memref<4096xf32, #tpu.memory_space<vmem>>, %arg26: memref<!tpu.dma_semaphore, #tpu.memory_space<semaphore_mem>>, %arg27: memref<!tpu.dma_semaphore, #tpu.memory_space<semaphore_mem>>, %arg28: memref<!tpu.dma_semaphore, #tpu.memory_space<semaphore_mem>>, %arg29: memref<!tpu.dma_semaphore, #tpu.memory_space<semaphore_mem>>) attributes {dimension_semantics = [#tpu.dimension_semantics<core_parallel>, #tpu.dimension_semantics<subcore_parallel>], iteration_bounds = array<i64: 2, 16>, scalar_prefetch = 0 : i64, scratch_operands = 23 : i64, tpu.core_type = #tpu.core_type<sc_vector_subcore>, window_params = [{transform_indices = #map}, {transform_indices = #map}, {transform_indices = #map}, {transform_indices = #map}, {transform_indices = #map}]} {
    %mul3A = arith.constant 2 : i32
    %mul3A_0 = arith.muli %arg1, %mul3A : i32
    %add3A = arith.addi %mul3A_0, %arg0 : i32
    %jit3A = arith.constant 4 : i32
    %div3A = arith.divsi %add3A, %jit3A : i32
    %sign3A = arith.constant 0 : i32
    %sign3A_1 = arith.cmpi sgt, %add3A, %sign3A : i32
    %sign3A_2 = arith.extui %sign3A_1 : i1 to i32
    %sign3A_3 = arith.constant 0 : i32
    %sign3A_4 = arith.cmpi slt, %add3A, %sign3A_3 : i32
    %sign3A_5 = arith.extui %sign3A_4 : i1 to i32
    %sign3A_6 = arith.subi %sign3A_2, %sign3A_5 : i32
    %sign3A_7 = arith.constant 0 : i32
    %sign3A_8 = arith.cmpi sgt, %jit3A, %sign3A_7 : i32
    %sign3A_9 = arith.extui %sign3A_8 : i1 to i32
    %sign3A_10 = arith.constant 0 : i32
    %sign3A_11 = arith.cmpi slt, %jit3A, %sign3A_10 : i32
    %sign3A_12 = arith.extui %sign3A_11 : i1 to i32
    %sign3A_13 = arith.subi %sign3A_9, %sign3A_12 : i32
    %ne3A = arith.cmpi ne, %sign3A_6, %sign3A_13 : i32
    %rem3A = arith.remsi %add3A, %jit3A : i32
    %ne3A_14 = arith.constant 0 : i32
    %ne3A_15 = arith.cmpi ne, %rem3A, %ne3A_14 : i32
    %and3A = arith.andi %ne3A, %ne3A_15 : i1
    %sub3A = arith.constant 1 : i32
    %sub3A_16 = arith.subi %div3A, %sub3A : i32
    %select_n3A = arith.select %and3A, %sub3A_16, %div3A : i32
    %jit3A_17 = arith.constant 4 : i32
    %eq3A = arith.constant 0 : i32
    %eq3A_18 = arith.cmpi eq, %jit3A_17, %eq3A : i32
    %jit3A_19 = arith.constant 1 : i32
    %select_n3A_20 = arith.select %eq3A_18, %jit3A_19, %jit3A_17 : i32
    %rem3A_21 = arith.remsi %add3A, %select_n3A_20 : i32
    %ne3A_22 = arith.constant 0 : i32
    %ne3A_23 = arith.cmpi ne, %rem3A_21, %ne3A_22 : i32
    %lt3A = arith.constant 0 : i32
    %lt3A_24 = arith.cmpi slt, %rem3A_21, %lt3A : i32
    %lt3A_25 = arith.constant 0 : i32
    %lt3A_26 = arith.cmpi slt, %select_n3A_20, %lt3A_25 : i32
    %ne3A_27 = arith.xori %lt3A_24, %lt3A_26 : i1
    %and3A_28 = arith.andi %ne3A_27, %ne3A_23 : i1
    %add3A_29 = arith.addi %rem3A_21, %select_n3A_20 : i32
    %select_n3A_30 = arith.select %and3A_28, %add3A_29, %rem3A_21 : i32
    %mul3A_31 = arith.constant 3 : i32
    %mul3A_32 = arith.muli %select_n3A, %mul3A_31 : i32
    %mul3A_33 = arith.constant 262144 : i32
    %mul3A_34 = arith.muli %mul3A_32, %mul3A_33 : i32
    %convert_element_type3A = arith.sitofp %mul3A_34 : i32 to f32
    %mul3A_35 = arith.constant 786432 : i32
    %mul3A_36 = arith.muli %select_n3A, %mul3A_35 : i32
    %mul3A_37 = arith.constant 65536 : i32
    %mul3A_38 = arith.muli %select_n3A_30, %mul3A_37 : i32
    %add3A_39 = arith.constant 0 : i32
    %add3A_40 = arith.addi %mul3A_38, %add3A_39 : i32
    %add3A_41 = arith.addi %mul3A_36, %add3A_40 : i32
    "tpu.region"() ({
      %run_scoped3A = tpu.sem_alloc : memref<!tpu.dma_semaphore, #tpu.memory_space<semaphore_mem>>
      %dma_start3A = tpu.memref_slice %arg5[%add3A_41] : memref<6291456xi32, #tpu.memory_space<hbm>> -> memref<4096xi32, #tpu.memory_space<hbm>>
      %dma_start3A_107 = tpu.memref_slice %arg5[%add3A_41] : memref<6291456xi32, #tpu.memory_space<hbm>> -> memref<4096xi32, #tpu.memory_space<hbm>>
      tpu.enqueue_dma source(%dma_start3A_107 : memref<4096xi32, #tpu.memory_space<hbm>>) target(%arg7 : memref<4096xi32, #tpu.memory_space<vmem>>) target_semaphore(%run_scoped3A : memref<!tpu.dma_semaphore, #tpu.memory_space<semaphore_mem>>)
      %dma_wait3A = tpu.memref_slice %arg5[%add3A_41] : memref<6291456xi32, #tpu.memory_space<hbm>> -> memref<4096xi32, #tpu.memory_space<hbm>>
      %dma_wait3A_108 = tpu.memref_slice %arg5[%add3A_41] : memref<6291456xi32, #tpu.memory_space<hbm>> -> memref<4096xi32, #tpu.memory_space<hbm>>
      tpu.wait_dma2 semaphore(%run_scoped3A : memref<!tpu.dma_semaphore, #tpu.memory_space<semaphore_mem>>) src(%dma_wait3A_108 : memref<4096xi32, #tpu.memory_space<hbm>>) dst(%arg7 : memref<4096xi32, #tpu.memory_space<vmem>>)
      tpu.yield
    }) : () -> ()
    %add3A_42 = arith.constant 262144 : i32
    %add3A_43 = arith.addi %mul3A_36, %add3A_42 : i32
    %add3A_44 = arith.addi %add3A_43, %add3A_40 : i32
    "tpu.region"() ({
      %run_scoped3A = tpu.sem_alloc : memref<!tpu.dma_semaphore, #tpu.memory_space<semaphore_mem>>
      %dma_start3A = tpu.memref_slice %arg5[%add3A_44] : memref<6291456xi32, #tpu.memory_space<hbm>> -> memref<4096xi32, #tpu.memory_space<hbm>>
      %dma_start3A_107 = tpu.memref_slice %arg5[%add3A_44] : memref<6291456xi32, #tpu.memory_space<hbm>> -> memref<4096xi32, #tpu.memory_space<hbm>>
      tpu.enqueue_dma source(%dma_start3A_107 : memref<4096xi32, #tpu.memory_space<hbm>>) target(%arg8 : memref<4096xi32, #tpu.memory_space<vmem>>) target_semaphore(%run_scoped3A : memref<!tpu.dma_semaphore, #tpu.memory_space<semaphore_mem>>)
      %dma_wait3A = tpu.memref_slice %arg5[%add3A_44] : memref<6291456xi32, #tpu.memory_space<hbm>> -> memref<4096xi32, #tpu.memory_space<hbm>>
      %dma_wait3A_108 = tpu.memref_slice %arg5[%add3A_44] : memref<6291456xi32, #tpu.memory_space<hbm>> -> memref<4096xi32, #tpu.memory_space<hbm>>
      tpu.wait_dma2 semaphore(%run_scoped3A : memref<!tpu.dma_semaphore, #tpu.memory_space<semaphore_mem>>) src(%dma_wait3A_108 : memref<4096xi32, #tpu.memory_space<hbm>>) dst(%arg8 : memref<4096xi32, #tpu.memory_space<vmem>>)
      tpu.yield
    }) : () -> ()
    %add3A_45 = arith.constant 524288 : i32
    %add3A_46 = arith.addi %mul3A_36, %add3A_45 : i32
    %add3A_47 = arith.addi %add3A_46, %add3A_40 : i32
    "tpu.region"() ({
      %run_scoped3A = tpu.sem_alloc : memref<!tpu.dma_semaphore, #tpu.memory_space<semaphore_mem>>
      %dma_start3A = tpu.memref_slice %arg5[%add3A_47] : memref<6291456xi32, #tpu.memory_space<hbm>> -> memref<4096xi32, #tpu.memory_space<hbm>>
      %dma_start3A_107 = tpu.memref_slice %arg5[%add3A_47] : memref<6291456xi32, #tpu.memory_space<hbm>> -> memref<4096xi32, #tpu.memory_space<hbm>>
      tpu.enqueue_dma source(%dma_start3A_107 : memref<4096xi32, #tpu.memory_space<hbm>>) target(%arg9 : memref<4096xi32, #tpu.memory_space<vmem>>) target_semaphore(%run_scoped3A : memref<!tpu.dma_semaphore, #tpu.memory_space<semaphore_mem>>)
      %dma_wait3A = tpu.memref_slice %arg5[%add3A_47] : memref<6291456xi32, #tpu.memory_space<hbm>> -> memref<4096xi32, #tpu.memory_space<hbm>>
      %dma_wait3A_108 = tpu.memref_slice %arg5[%add3A_47] : memref<6291456xi32, #tpu.memory_space<hbm>> -> memref<4096xi32, #tpu.memory_space<hbm>>
      tpu.wait_dma2 semaphore(%run_scoped3A : memref<!tpu.dma_semaphore, #tpu.memory_space<semaphore_mem>>) src(%dma_wait3A_108 : memref<4096xi32, #tpu.memory_space<hbm>>) dst(%arg9 : memref<4096xi32, #tpu.memory_space<vmem>>)
      tpu.yield
    }) : () -> ()
    %scan3A = arith.constant 0 : i32
    %scan3A_48 = arith.constant 0 : i32
    %scan3A_49 = arith.constant 256 : i32
    %scan3A_50 = arith.addi %scan3A_48, %scan3A_49 : i32
    %scan3A_51 = arith.constant 1 : i32
    %scan3A_52 = scf.for %scan3A_107 = %scan3A_48 to %scan3A_50 step %scan3A_51 iter_args(%scan3A_108 = %scan3A) -> (i32)  : i32 {
      %mul3A_109 = arith.constant 16 : i32
      %mul3A_110 = arith.muli %scan3A_107, %mul3A_109 : i32
      %get3A = arith.index_cast %mul3A_110 : i32 to index
      %get3A_111 = tpu.vector_load %arg7[%get3A] {strides = array<i32>} : memref<4096xi32, #tpu.memory_space<vmem>>, vector<16xi32>,
      %get3A_112 = arith.index_cast %mul3A_110 : i32 to index
      %get3A_113 = tpu.vector_load %arg8[%get3A_112] {strides = array<i32>} : memref<4096xi32, #tpu.memory_space<vmem>>, vector<16xi32>,
      %get3A_114 = arith.index_cast %mul3A_110 : i32 to index
      %get3A_115 = tpu.vector_load %arg9[%get3A_114] {strides = array<i32>} : memref<4096xi32, #tpu.memory_space<vmem>>, vector<16xi32>,
      %gt3A = arith.constant 0 : i32
      %gt3A_116 = vector.broadcast %gt3A : i32 to vector<16xi32>
      %gt3A_117 = arith.cmpi sgt, %get3A_111, %gt3A_116 : vector<16xi32>
      %sub3A_118 = arith.constant 1 : i32
      %sub3A_119 = vector.broadcast %sub3A_118 : i32 to vector<16xi32>
      %sub3A_120 = arith.subi %get3A_111, %sub3A_119 : vector<16xi32>
      %jit3A_121 = arith.constant 0 : i32
      %broadcast_in_dim3A = vector.broadcast %jit3A_121 : i32 to vector<16xi32>
      %select_n3A_122 = arith.select %gt3A_117, %sub3A_120, %broadcast_in_dim3A : vector<16xi1>, vector<16xi32>
      %shift_left3A = arith.constant 16 : i32
      %shift_left3A_123 = vector.broadcast %shift_left3A : i32 to vector<16xi32>
      %shift_left3A_124 = arith.shli %select_n3A_122, %shift_left3A_123 : vector<16xi32>
      %shift_left3A_125 = arith.constant 8 : i32
      %shift_left3A_126 = vector.broadcast %shift_left3A_125 : i32 to vector<16xi32>
      %shift_left3A_127 = arith.shli %get3A_115, %shift_left3A_126 : vector<16xi32>
      %or3A = arith.ori %shift_left3A_124, %shift_left3A_127 : vector<16xi32>
      %or3A_128 = arith.ori %or3A, %get3A_113 : vector<16xi32>
      %swap3A = arith.index_cast %mul3A_110 : i32 to index
      %swap3A_129 = tpu.vector_load %arg10[%swap3A] {strides = array<i32>} : memref<4096xi32, #tpu.memory_space<vmem>>, vector<16xi32>,
      tpu.vector_store %arg10[%swap3A], %or3A_128 {strides = array<i32>} : memref<4096xi32, #tpu.memory_space<vmem>>, vector<16xi32>,
      %gt3A_130 = arith.constant 0 : i32
      %gt3A_131 = vector.broadcast %gt3A_130 : i32 to vector<16xi32>
      %gt3A_132 = arith.cmpi sgt, %get3A_111, %gt3A_131 : vector<16xi32>
      %jit3A_133 = arith.constant 1.000000e+00 : f32
      %jit3A_134 = arith.constant 0.000000e+00 : f32
      %broadcast_in_dim3A_135 = vector.broadcast %jit3A_133 : f32 to vector<16xf32>
      %broadcast_in_dim3A_136 = vector.broadcast %jit3A_134 : f32 to vector<16xf32>
      %select_n3A_137 = arith.select %gt3A_132, %broadcast_in_dim3A_135, %broadcast_in_dim3A_136 : vector<16xi1>, vector<16xf32>
      %swap3A_138 = arith.index_cast %mul3A_110 : i32 to index
      %swap3A_139 = tpu.vector_load %arg14[%swap3A_138] {strides = array<i32>} : memref<4096xf32, #tpu.memory_space<vmem>>, vector<16xf32>,
      tpu.vector_store %arg14[%swap3A_138], %select_n3A_137 {strides = array<i32>} : memref<4096xf32, #tpu.memory_space<vmem>>, vector<16xf32>,
      %scan3A_140 = arith.constant 0 : i32
      scf.yield %scan3A_140 : i32
    }
    %scan3A_53 = arith.constant 256 : i32
    %scan3A_54 = arith.constant 0 : i32
    %scan3A_55 = arith.constant 0 : i32
    %scan3A_56 = arith.constant 8 : i32
    %scan3A_57 = arith.addi %scan3A_55, %scan3A_56 : i32
    %scan3A_58 = arith.constant 1 : i32
    %scan3A_59 = scf.for %scan3A_107 = %scan3A_55 to %scan3A_57 step %scan3A_58 iter_args(%scan3A_108 = %scan3A_54) -> (i32)  : i32 {
      %mul3A_109 = arith.constant 512 : i32
      %mul3A_110 = arith.muli %scan3A_107, %mul3A_109 : i32
      %mul3A_111 = arith.constant 512 : i32
      %mul3A_112 = arith.muli %scan3A_107, %mul3A_111 : i32
      %dma_start3A = tpu.memref_slice %arg11[%mul3A_112] : memref<4096xf32, #tpu.memory_space<vmem>> -> memref<512xf32, #tpu.memory_space<vmem>>
      %dma_start3A_113 = tpu.memref_slice %arg10[%mul3A_110] : memref<4096xi32, #tpu.memory_space<vmem>> -> memref<512xi32, #tpu.memory_space<vmem>>
      %dma_start3A_114 = arith.constant 0 : i32
      %dma_start3A_115 = tpu.memref_slice %arg3[%dma_start3A_114] : memref<1572864xf32, #tpu.memory_space<hbm>> -> memref<1572864xf32, #tpu.memory_space<hbm>>
      tpu.enqueue_indirect_dma source(%dma_start3A_115 : memref<1572864xf32, #tpu.memory_space<hbm>>) target(%dma_start3A : memref<512xf32, #tpu.memory_space<vmem>>) offsets(%dma_start3A_113 : memref<512xi32, #tpu.memory_space<vmem>>) semaphore(%arg26 : memref<!tpu.dma_semaphore, #tpu.memory_space<semaphore_mem>>)
      %scan3A_116 = arith.constant 0 : i32
      scf.yield %scan3A_116 : i32
    }
    %scan3A_60 = arith.constant 8 : i32
    %scan3A_61 = arith.constant 0 : i32
    %scan3A_62 = arith.constant 0 : i32
    %scan3A_63 = arith.constant 8 : i32
    %scan3A_64 = arith.addi %scan3A_62, %scan3A_63 : i32
    %scan3A_65 = arith.constant 1 : i32
    %scan3A_66 = scf.for %scan3A_107 = %scan3A_62 to %scan3A_64 step %scan3A_65 iter_args(%scan3A_108 = %scan3A_61) -> (i32)  : i32 {
      %mul3A_109 = arith.constant 512 : i32
      %mul3A_110 = arith.muli %scan3A_107, %mul3A_109 : i32
      %mul3A_111 = arith.constant 512 : i32
      %mul3A_112 = arith.muli %scan3A_107, %mul3A_111 : i32
      %dma_start3A = tpu.memref_slice %arg12[%mul3A_112] : memref<4096xf32, #tpu.memory_space<vmem>> -> memref<512xf32, #tpu.memory_space<vmem>>
      %dma_start3A_113 = tpu.memref_slice %arg10[%mul3A_110] : memref<4096xi32, #tpu.memory_space<vmem>> -> memref<512xi32, #tpu.memory_space<vmem>>
      %dma_start3A_114 = arith.constant 0 : i32
      %dma_start3A_115 = tpu.memref_slice %arg4[%dma_start3A_114] : memref<1572864xf32, #tpu.memory_space<hbm>> -> memref<1572864xf32, #tpu.memory_space<hbm>>
      tpu.enqueue_indirect_dma source(%dma_start3A_115 : memref<1572864xf32, #tpu.memory_space<hbm>>) target(%dma_start3A : memref<512xf32, #tpu.memory_space<vmem>>) offsets(%dma_start3A_113 : memref<512xi32, #tpu.memory_space<vmem>>) semaphore(%arg26 : memref<!tpu.dma_semaphore, #tpu.memory_space<semaphore_mem>>)
      %scan3A_116 = arith.constant 0 : i32
      scf.yield %scan3A_116 : i32
    }
    %scan3A_67 = arith.constant 8 : i32
    %mul3A_68 = arith.constant 65536 : i32
    %mul3A_69 = arith.muli %select_n3A_30, %mul3A_68 : i32
    %add3A_70 = arith.constant 4096 : i32
    %add3A_71 = arith.addi %mul3A_69, %add3A_70 : i32
    %add3A_72 = arith.addi %mul3A_36, %add3A_71 : i32
    "tpu.region"() ({
      %run_scoped3A = tpu.sem_alloc : memref<!tpu.dma_semaphore, #tpu.memory_space<semaphore_mem>>
      %dma_start3A = tpu.memref_slice %arg5[%add3A_72] : memref<6291456xi32, #tpu.memory_space<hbm>> -> memref<4096xi32, #tpu.memory_space<hbm>>
      %dma_start3A_107 = tpu.memref_slice %arg5[%add3A_72] : memref<6291456xi32, #tpu.memory_space<hbm>> -> memref<4096xi32, #tpu.memory_space<hbm>>
      tpu.enqueue_dma source(%dma_start3A_107 : memref<4096xi32, #tpu.memory_space<hbm>>) target(%arg7 : memref<4096xi32, #tpu.memory_space<vmem>>) target_semaphore(%run_scoped3A : memref<!tpu.dma_semaphore, #tpu.memory_space<semaphore_mem>>)
      %dma_wait3A = tpu.memref_slice %arg5[%add3A_72] : memref<6291456xi32, #tpu.memory_space<hbm>> -> memref<4096xi32, #tpu.memory_space<hbm>>
      %dma_wait3A_108 = tpu.memref_slice %arg5[%add3A_72] : memref<6291456xi32, #tpu.memory_space<hbm>> -> memref<4096xi32, #tpu.memory_space<hbm>>
      tpu.wait_dma2 semaphore(%run_scoped3A : memref<!tpu.dma_semaphore, #tpu.memory_space<semaphore_mem>>) src(%dma_wait3A_108 : memref<4096xi32, #tpu.memory_space<hbm>>) dst(%arg7 : memref<4096xi32, #tpu.memory_space<vmem>>)
      tpu.yield
    }) : () -> ()
    %add3A_73 = arith.constant 262144 : i32
    %add3A_74 = arith.addi %mul3A_36, %add3A_73 : i32
    %add3A_75 = arith.addi %add3A_74, %add3A_71 : i32
    "tpu.region"() ({
      %run_scoped3A = tpu.sem_alloc : memref<!tpu.dma_semaphore, #tpu.memory_space<semaphore_mem>>
      %dma_start3A = tpu.memref_slice %arg5[%add3A_75] : memref<6291456xi32, #tpu.memory_space<hbm>> -> memref<4096xi32, #tpu.memory_space<hbm>>
      %dma_start3A_107 = tpu.memref_slice %arg5[%add3A_75] : memref<6291456xi32, #tpu.memory_space<hbm>> -> memref<4096xi32, #tpu.memory_space<hbm>>
      tpu.enqueue_dma source(%dma_start3A_107 : memref<4096xi32, #tpu.memory_space<hbm>>) target(%arg8 : memref<4096xi32, #tpu.memory_space<vmem>>) target_semaphore(%run_scoped3A : memref<!tpu.dma_semaphore, #tpu.memory_space<semaphore_mem>>)
      %dma_wait3A = tpu.memref_slice %arg5[%add3A_75] : memref<6291456xi32, #tpu.memory_space<hbm>> -> memref<4096xi32, #tpu.memory_space<hbm>>
      %dma_wait3A_108 = tpu.memref_slice %arg5[%add3A_75] : memref<6291456xi32, #tpu.memory_space<hbm>> -> memref<4096xi32, #tpu.memory_space<hbm>>
      tpu.wait_dma2 semaphore(%run_scoped3A : memref<!tpu.dma_semaphore, #tpu.memory_space<semaphore_mem>>) src(%dma_wait3A_108 : memref<4096xi32, #tpu.memory_space<hbm>>) dst(%arg8 : memref<4096xi32, #tpu.memory_space<vmem>>)
      tpu.yield
    }) : () -> ()
    %add3A_76 = arith.constant 524288 : i32
    %add3A_77 = arith.addi %mul3A_36, %add3A_76 : i32
    %add3A_78 = arith.addi %add3A_77, %add3A_71 : i32
    "tpu.region"() ({
      %run_scoped3A = tpu.sem_alloc : memref<!tpu.dma_semaphore, #tpu.memory_space<semaphore_mem>>
      %dma_start3A = tpu.memref_slice %arg5[%add3A_78] : memref<6291456xi32, #tpu.memory_space<hbm>> -> memref<4096xi32, #tpu.memory_space<hbm>>
      %dma_start3A_107 = tpu.memref_slice %arg5[%add3A_78] : memref<6291456xi32, #tpu.memory_space<hbm>> -> memref<4096xi32, #tpu.memory_space<hbm>>
      tpu.enqueue_dma source(%dma_start3A_107 : memref<4096xi32, #tpu.memory_space<hbm>>) target(%arg9 : memref<4096xi32, #tpu.memory_space<vmem>>) target_semaphore(%run_scoped3A : memref<!tpu.dma_semaphore, #tpu.memory_space<semaphore_mem>>)
      %dma_wait3A = tpu.memref_slice %arg5[%add3A_78] : memref<6291456xi32, #tpu.memory_space<hbm>> -> memref<4096xi32, #tpu.memory_space<hbm>>
      %dma_wait3A_108 = tpu.memref_slice %arg5[%add3A_78] : memref<6291456xi32, #tpu.memory_space<hbm>> -> memref<4096xi32, #tpu.memory_space<hbm>>
      tpu.wait_dma2 semaphore(%run_scoped3A : memref<!tpu.dma_semaphore, #tpu.memory_space<semaphore_mem>>) src(%dma_wait3A_108 : memref<4096xi32, #tpu.memory_space<hbm>>) dst(%arg9 : memref<4096xi32, #tpu.memory_space<vmem>>)
      tpu.yield
    }) : () -> ()
    %scan3A_79 = arith.constant 0 : i32
    %scan3A_80 = arith.constant 0 : i32
    %scan3A_81 = arith.constant 256 : i32
    %scan3A_82 = arith.addi %scan3A_80, %scan3A_81 : i32
    %scan3A_83 = arith.constant 1 : i32
    %scan3A_84 = scf.for %scan3A_107 = %scan3A_80 to %scan3A_82 step %scan3A_83 iter_args(%scan3A_108 = %scan3A_79) -> (i32)  : i32 {
      %mul3A_109 = arith.constant 16 : i32
      %mul3A_110 = arith.muli %scan3A_107, %mul3A_109 : i32
      %get3A = arith.index_cast %mul3A_110 : i32 to index
      %get3A_111 = tpu.vector_load %arg7[%get3A] {strides = array<i32>} : memref<4096xi32, #tpu.memory_space<vmem>>, vector<16xi32>,
      %get3A_112 = arith.index_cast %mul3A_110 : i32 to index
      %get3A_113 = tpu.vector_load %arg8[%get3A_112] {strides = array<i32>} : memref<4096xi32, #tpu.memory_space<vmem>>, vector<16xi32>,
      %get3A_114 = arith.index_cast %mul3A_110 : i32 to index
      %get3A_115 = tpu.vector_load %arg9[%get3A_114] {strides = array<i32>} : memref<4096xi32, #tpu.memory_space<vmem>>, vector<16xi32>,
      %gt3A = arith.constant 0 : i32
      %gt3A_116 = vector.broadcast %gt3A : i32 to vector<16xi32>
      %gt3A_117 = arith.cmpi sgt, %get3A_111, %gt3A_116 : vector<16xi32>
      %sub3A_118 = arith.constant 1 : i32
      %sub3A_119 = vector.broadcast %sub3A_118 : i32 to vector<16xi32>
      %sub3A_120 = arith.subi %get3A_111, %sub3A_119 : vector<16xi32>
      %jit3A_121 = arith.constant 0 : i32
      %broadcast_in_dim3A = vector.broadcast %jit3A_121 : i32 to vector<16xi32>
      %select_n3A_122 = arith.select %gt3A_117, %sub3A_120, %broadcast_in_dim3A : vector<16xi1>, vector<16xi32>
      %shift_left3A = arith.constant 16 : i32
      %shift_left3A_123 = vector.broadcast %shift_left3A : i32 to vector<16xi32>
      %shift_left3A_124 = arith.shli %select_n3A_122, %shift_left3A_123 : vector<16xi32>
      %shift_left3A_125 = arith.constant 8 : i32
      %shift_left3A_126 = vector.broadcast %shift_left3A_125 : i32 to vector<16xi32>
      %shift_left3A_127 = arith.shli %get3A_115, %shift_left3A_126 : vector<16xi32>
      %or3A = arith.ori %shift_left3A_124, %shift_left3A_127 : vector<16xi32>
      %or3A_128 = arith.ori %or3A, %get3A_113 : vector<16xi32>
      %swap3A = arith.index_cast %mul3A_110 : i32 to index
      %swap3A_129 = tpu.vector_load %arg18[%swap3A] {strides = array<i32>} : memref<4096xi32, #tpu.memory_space<vmem>>, vector<16xi32>,
      tpu.vector_store %arg18[%swap3A], %or3A_128 {strides = array<i32>} : memref<4096xi32, #tpu.memory_space<vmem>>, vector<16xi32>,
      %gt3A_130 = arith.constant 0 : i32
      %gt3A_131 = vector.broadcast %gt3A_130 : i32 to vector<16xi32>
      %gt3A_132 = arith.cmpi sgt, %get3A_111, %gt3A_131 : vector<16xi32>
      %jit3A_133 = arith.constant 1.000000e+00 : f32
      %jit3A_134 = arith.constant 0.000000e+00 : f32
      %broadcast_in_dim3A_135 = vector.broadcast %jit3A_133 : f32 to vector<16xf32>
      %broadcast_in_dim3A_136 = vector.broadcast %jit3A_134 : f32 to vector<16xf32>
      %select_n3A_137 = arith.select %gt3A_132, %broadcast_in_dim3A_135, %broadcast_in_dim3A_136 : vector<16xi1>, vector<16xf32>
      %swap3A_138 = arith.index_cast %mul3A_110 : i32 to index
      %swap3A_139 = tpu.vector_load %arg22[%swap3A_138] {strides = array<i32>} : memref<4096xf32, #tpu.memory_space<vmem>>, vector<16xf32>,
      tpu.vector_store %arg22[%swap3A_138], %select_n3A_137 {strides = array<i32>} : memref<4096xf32, #tpu.memory_space<vmem>>, vector<16xf32>,
      %scan3A_140 = arith.constant 0 : i32
      scf.yield %scan3A_140 : i32
    }
    %scan3A_85 = arith.constant 256 : i32
    %scan3A_86 = arith.constant 0 : i32
    %scan3A_87 = arith.constant 0 : i32
    %scan3A_88 = arith.constant 8 : i32
    %scan3A_89 = arith.addi %scan3A_87, %scan3A_88 : i32
    %scan3A_90 = arith.constant 1 : i32
    %scan3A_91 = scf.for %scan3A_107 = %scan3A_87 to %scan3A_89 step %scan3A_90 iter_args(%scan3A_108 = %scan3A_86) -> (i32)  : i32 {
      %mul3A_109 = arith.constant 512 : i32
      %mul3A_110 = arith.muli %scan3A_107, %mul3A_109 : i32
      %mul3A_111 = arith.constant 512 : i32
      %mul3A_112 = arith.muli %scan3A_107, %mul3A_111 : i32
      %dma_start3A = tpu.memref_slice %arg19[%mul3A_112] : memref<4096xf32, #tpu.memory_space<vmem>> -> memref<512xf32, #tpu.memory_space<vmem>>
      %dma_start3A_113 = tpu.memref_slice %arg18[%mul3A_110] : memref<4096xi32, #tpu.memory_space<vmem>> -> memref<512xi32, #tpu.memory_space<vmem>>
      %dma_start3A_114 = arith.constant 0 : i32
      %dma_start3A_115 = tpu.memref_slice %arg3[%dma_start3A_114] : memref<1572864xf32, #tpu.memory_space<hbm>> -> memref<1572864xf32, #tpu.memory_space<hbm>>
      tpu.enqueue_indirect_dma source(%dma_start3A_115 : memref<1572864xf32, #tpu.memory_space<hbm>>) target(%dma_start3A : memref<512xf32, #tpu.memory_space<vmem>>) offsets(%dma_start3A_113 : memref<512xi32, #tpu.memory_space<vmem>>) semaphore(%arg27 : memref<!tpu.dma_semaphore, #tpu.memory_space<semaphore_mem>>)
      %scan3A_116 = arith.constant 0 : i32
      scf.yield %scan3A_116 : i32
    }
    %scan3A_92 = arith.constant 8 : i32
    %scan3A_93 = arith.constant 0 : i32
    %scan3A_94 = arith.constant 0 : i32
    %scan3A_95 = arith.constant 8 : i32
    %scan3A_96 = arith.addi %scan3A_94, %scan3A_95 : i32
    %scan3A_97 = arith.constant 1 : i32
    %scan3A_98 = scf.for %scan3A_107 = %scan3A_94 to %scan3A_96 step %scan3A_97 iter_args(%scan3A_108 = %scan3A_93) -> (i32)  : i32 {
      %mul3A_109 = arith.constant 512 : i32
      %mul3A_110 = arith.muli %scan3A_107, %mul3A_109 : i32
      %mul3A_111 = arith.constant 512 : i32
      %mul3A_112 = arith.muli %scan3A_107, %mul3A_111 : i32
      %dma_start3A = tpu.memref_slice %arg20[%mul3A_112] : memref<4096xf32, #tpu.memory_space<vmem>> -> memref<512xf32, #tpu.memory_space<vmem>>
      %dma_start3A_113 = tpu.memref_slice %arg18[%mul3A_110] : memref<4096xi32, #tpu.memory_space<vmem>> -> memref<512xi32, #tpu.memory_space<vmem>>
      %dma_start3A_114 = arith.constant 0 : i32
      %dma_start3A_115 = tpu.memref_slice %arg4[%dma_start3A_114] : memref<1572864xf32, #tpu.memory_space<hbm>> -> memref<1572864xf32, #tpu.memory_space<hbm>>
      tpu.enqueue_indirect_dma source(%dma_start3A_115 : memref<1572864xf32, #tpu.memory_space<hbm>>) target(%dma_start3A : memref<512xf32, #tpu.memory_space<vmem>>) offsets(%dma_start3A_113 : memref<512xi32, #tpu.memory_space<vmem>>) semaphore(%arg27 : memref<!tpu.dma_semaphore, #tpu.memory_space<semaphore_mem>>)
      %scan3A_116 = arith.constant 0 : i32
      scf.yield %scan3A_116 : i32
    }
    %scan3A_99 = arith.constant 8 : i32
    %scan3A_100 = arith.constant 0 : i32
    %scan3A_101 = arith.constant 0 : i32
    %scan3A_102 = arith.constant 8 : i32
    %scan3A_103 = arith.addi %scan3A_101, %scan3A_102 : i32
    %scan3A_104 = arith.constant 1 : i32
    %scan3A_105 = scf.for %scan3A_107 = %scan3A_101 to %scan3A_103 step %scan3A_104 iter_args(%scan3A_108 = %scan3A_100) -> (i32)  : i32 {
      %mul3A_109 = arith.constant 2 : i32
      %mul3A_110 = arith.muli %mul3A_109, %scan3A_107 : i32
      %mul3A_111 = arith.constant 2 : i32
      %mul3A_112 = arith.muli %mul3A_111, %scan3A_107 : i32
      %add3A_113 = arith.constant 1 : i32
      %add3A_114 = arith.addi %mul3A_112, %add3A_113 : i32
      %scan3A_115 = arith.constant 0 : i32
      %scan3A_116 = arith.constant 0 : i32
      %scan3A_117 = arith.constant 8 : i32
      %scan3A_118 = arith.addi %scan3A_116, %scan3A_117 : i32
      %scan3A_119 = arith.constant 1 : i32
      %scan3A_120 = scf.for %scan3A_289 = %scan3A_116 to %scan3A_118 step %scan3A_119 iter_args(%scan3A_290 = %scan3A_115) -> (i32)  : i32 {
        %mul3A_291 = arith.constant 512 : i32
        %mul3A_292 = arith.muli %scan3A_289, %mul3A_291 : i32
        %mul3A_293 = arith.constant 512 : i32
        %mul3A_294 = arith.muli %scan3A_289, %mul3A_293 : i32
        %dma_wait3A = tpu.memref_slice %arg11[%mul3A_294] : memref<4096xf32, #tpu.memory_space<vmem>> -> memref<512xf32, #tpu.memory_space<vmem>>
        %dma_wait3A_295 = tpu.memref_slice %arg10[%mul3A_292] : memref<4096xi32, #tpu.memory_space<vmem>> -> memref<512xi32, #tpu.memory_space<vmem>>
        %dma_wait3A_296 = arith.constant 0 : i32
        %dma_wait3A_297 = tpu.memref_slice %arg3[%dma_wait3A_296] : memref<1572864xf32, #tpu.memory_space<hbm>> -> memref<1572864xf32, #tpu.memory_space<hbm>>
        tpu.wait_indirect_dma semaphore(%arg26 : memref<!tpu.dma_semaphore, #tpu.memory_space<semaphore_mem>>) src(%dma_wait3A_297 : memref<1572864xf32, #tpu.memory_space<hbm>>) dst(%dma_wait3A : memref<512xf32, #tpu.memory_space<vmem>>)
        %scan3A_298 = arith.constant 0 : i32
        scf.yield %scan3A_298 : i32
      }
      %scan3A_121 = arith.constant 8 : i32
      %scan3A_122 = arith.constant 0 : i32
      %scan3A_123 = arith.constant 0 : i32
      %scan3A_124 = arith.constant 8 : i32
      %scan3A_125 = arith.addi %scan3A_123, %scan3A_124 : i32
      %scan3A_126 = arith.constant 1 : i32
      %scan3A_127 = scf.for %scan3A_289 = %scan3A_123 to %scan3A_125 step %scan3A_126 iter_args(%scan3A_290 = %scan3A_122) -> (i32)  : i32 {
        %mul3A_291 = arith.constant 512 : i32
        %mul3A_292 = arith.muli %scan3A_289, %mul3A_291 : i32
        %mul3A_293 = arith.constant 512 : i32
        %mul3A_294 = arith.muli %scan3A_289, %mul3A_293 : i32
        %dma_wait3A = tpu.memref_slice %arg12[%mul3A_294] : memref<4096xf32, #tpu.memory_space<vmem>> -> memref<512xf32, #tpu.memory_space<vmem>>
        %dma_wait3A_295 = tpu.memref_slice %arg10[%mul3A_292] : memref<4096xi32, #tpu.memory_space<vmem>> -> memref<512xi32, #tpu.memory_space<vmem>>
        %dma_wait3A_296 = arith.constant 0 : i32
        %dma_wait3A_297 = tpu.memref_slice %arg4[%dma_wait3A_296] : memref<1572864xf32, #tpu.memory_space<hbm>> -> memref<1572864xf32, #tpu.memory_space<hbm>>
        tpu.wait_indirect_dma semaphore(%arg26 : memref<!tpu.dma_semaphore, #tpu.memory_space<semaphore_mem>>) src(%dma_wait3A_297 : memref<1572864xf32, #tpu.memory_space<hbm>>) dst(%dma_wait3A : memref<512xf32, #tpu.memory_space<vmem>>)
        %scan3A_298 = arith.constant 0 : i32
        scf.yield %scan3A_298 : i32
      }
      %scan3A_128 = arith.constant 8 : i32
      %scan3A_129 = arith.constant 0 : i32
      %scan3A_130 = arith.constant 0 : i32
      %scan3A_131 = arith.constant 256 : i32
      %scan3A_132 = arith.addi %scan3A_130, %scan3A_131 : i32
      %scan3A_133 = arith.constant 1 : i32
      %scan3A_134 = scf.for %scan3A_289 = %scan3A_130 to %scan3A_132 step %scan3A_133 iter_args(%scan3A_290 = %scan3A_129) -> (i32)  : i32 {
        %mul3A_291 = arith.constant 16 : i32
        %mul3A_292 = arith.muli %scan3A_289, %mul3A_291 : i32
        %get3A = arith.index_cast %mul3A_292 : i32 to index
        %get3A_293 = tpu.vector_load %arg11[%get3A] {strides = array<i32>} : memref<4096xf32, #tpu.memory_space<vmem>>, vector<16xf32>,
        %get3A_294 = arith.index_cast %mul3A_292 : i32 to index
        %get3A_295 = tpu.vector_load %arg12[%get3A_294] {strides = array<i32>} : memref<4096xf32, #tpu.memory_space<vmem>>, vector<16xf32>,
        %mul3A_296 = arith.constant 5.110000e+02 : f32
        %mul3A_297 = vector.broadcast %mul3A_296 : f32 to vector<16xf32>
        %mul3A_298 = arith.mulf %get3A_293, %mul3A_297 : vector<16xf32>
        %add3A_299 = arith.constant 0x4B400000 : f32
        %add3A_300 = vector.broadcast %add3A_299 : f32 to vector<16xf32>
        %add3A_301 = arith.addf %mul3A_298, %add3A_300 : vector<16xf32>
        %sub3A_302 = arith.constant 0x4B400000 : f32
        %sub3A_303 = vector.broadcast %sub3A_302 : f32 to vector<16xf32>
        %sub3A_304 = arith.subf %add3A_301, %sub3A_303 : vector<16xf32>
        %sub3A_305 = arith.constant 1.000000e+00 : f32
        %sub3A_306 = vector.broadcast %sub3A_305 : f32 to vector<16xf32>
        %sub3A_307 = arith.subf %sub3A_306, %get3A_295 : vector<16xf32>
        %mul3A_308 = arith.constant 5.110000e+02 : f32
        %mul3A_309 = vector.broadcast %mul3A_308 : f32 to vector<16xf32>
        %mul3A_310 = arith.mulf %sub3A_307, %mul3A_309 : vector<16xf32>
        %add3A_311 = arith.constant 0x4B400000 : f32
        %add3A_312 = vector.broadcast %add3A_311 : f32 to vector<16xf32>
        %add3A_313 = arith.addf %mul3A_310, %add3A_312 : vector<16xf32>
        %sub3A_314 = arith.constant 0x4B400000 : f32
        %sub3A_315 = vector.broadcast %sub3A_314 : f32 to vector<16xf32>
        %sub3A_316 = arith.subf %add3A_313, %sub3A_315 : vector<16xf32>
        %mul3A_317 = arith.constant 5.120000e+02 : f32
        %mul3A_318 = vector.broadcast %mul3A_317 : f32 to vector<16xf32>
        %mul3A_319 = arith.mulf %sub3A_316, %mul3A_318 : vector<16xf32>
        %add3A_320 = arith.addf %mul3A_319, %sub3A_304 : vector<16xf32>
        %add3A_321 = vector.broadcast %convert_element_type3A : f32 to vector<16xf32>
        %add3A_322 = arith.addf %add3A_320, %add3A_321 : vector<16xf32>
        %convert_element_type3A_323 = arith.fptosi %add3A_322 : vector<16xf32> to vector<16xi32>
        %swap3A = arith.index_cast %mul3A_292 : i32 to index
        %swap3A_324 = tpu.vector_load %arg13[%swap3A] {strides = array<i32>} : memref<4096xi32, #tpu.memory_space<vmem>>, vector<16xi32>,
        tpu.vector_store %arg13[%swap3A], %convert_element_type3A_323 {strides = array<i32>} : memref<4096xi32, #tpu.memory_space<vmem>>, vector<16xi32>,
        %scan3A_325 = arith.constant 0 : i32
        scf.yield %scan3A_325 : i32
      }
      %scan3A_135 = arith.constant 256 : i32
      %scan3A_136 = arith.constant 0 : i32
      %scan3A_137 = arith.constant 0 : i32
      %scan3A_138 = arith.constant 8 : i32
      %scan3A_139 = arith.addi %scan3A_137, %scan3A_138 : i32
      %scan3A_140 = arith.constant 1 : i32
      %scan3A_141 = scf.for %scan3A_289 = %scan3A_137 to %scan3A_139 step %scan3A_140 iter_args(%scan3A_290 = %scan3A_136) -> (i32)  : i32 {
        %mul3A_291 = arith.constant 512 : i32
        %mul3A_292 = arith.muli %scan3A_289, %mul3A_291 : i32
        %mul3A_293 = arith.constant 512 : i32
        %mul3A_294 = arith.muli %scan3A_289, %mul3A_293 : i32
        %dma_start3A = tpu.memref_slice %arg15[%mul3A_294] : memref<4096xf32, #tpu.memory_space<vmem>> -> memref<512xf32, #tpu.memory_space<vmem>>
        %dma_start3A_295 = tpu.memref_slice %arg13[%mul3A_292] : memref<4096xi32, #tpu.memory_space<vmem>> -> memref<512xi32, #tpu.memory_space<vmem>>
        %dma_start3A_296 = arith.constant 0 : i32
        %dma_start3A_297 = tpu.memref_slice %arg2[%dma_start3A_296] : memref<6291456xf32, #tpu.memory_space<hbm>> -> memref<6291456xf32, #tpu.memory_space<hbm>>
        tpu.enqueue_indirect_dma source(%dma_start3A_297 : memref<6291456xf32, #tpu.memory_space<hbm>>) target(%dma_start3A : memref<512xf32, #tpu.memory_space<vmem>>) offsets(%dma_start3A_295 : memref<512xi32, #tpu.memory_space<vmem>>) semaphore(%arg28 : memref<!tpu.dma_semaphore, #tpu.memory_space<semaphore_mem>>)
        %scan3A_298 = arith.constant 0 : i32
        scf.yield %scan3A_298 : i32
      }
      %scan3A_142 = arith.constant 8 : i32
      %scan3A_143 = arith.constant 0 : i32
      %scan3A_144 = arith.constant 0 : i32
      %scan3A_145 = arith.constant 8 : i32
      %scan3A_146 = arith.addi %scan3A_144, %scan3A_145 : i32
      %scan3A_147 = arith.constant 1 : i32
      %scan3A_148 = scf.for %scan3A_289 = %scan3A_144 to %scan3A_146 step %scan3A_147 iter_args(%scan3A_290 = %scan3A_143) -> (i32)  : i32 {
        %mul3A_291 = arith.constant 512 : i32
        %mul3A_292 = arith.muli %scan3A_289, %mul3A_291 : i32
        %mul3A_293 = arith.constant 512 : i32
        %mul3A_294 = arith.muli %scan3A_289, %mul3A_293 : i32
        %dma_start3A = tpu.memref_slice %arg16[%mul3A_294] : memref<4096xf32, #tpu.memory_space<vmem>> -> memref<512xf32, #tpu.memory_space<vmem>>
        %dma_start3A_295 = tpu.memref_slice %arg13[%mul3A_292] : memref<4096xi32, #tpu.memory_space<vmem>> -> memref<512xi32, #tpu.memory_space<vmem>>
        %dma_start3A_296 = arith.constant 262144 : i32
        %dma_start3A_297 = tpu.memref_slice %arg2[%dma_start3A_296] : memref<6291456xf32, #tpu.memory_space<hbm>> -> memref<6029312xf32, #tpu.memory_space<hbm>>
        %dma_start3A_298 = arith.constant 0 : i32
        %dma_start3A_299 = tpu.memref_slice %dma_start3A_297[%dma_start3A_298] : memref<6029312xf32, #tpu.memory_space<hbm>> -> memref<6029312xf32, #tpu.memory_space<hbm>>
        tpu.enqueue_indirect_dma source(%dma_start3A_299 : memref<6029312xf32, #tpu.memory_space<hbm>>) target(%dma_start3A : memref<512xf32, #tpu.memory_space<vmem>>) offsets(%dma_start3A_295 : memref<512xi32, #tpu.memory_space<vmem>>) semaphore(%arg28 : memref<!tpu.dma_semaphore, #tpu.memory_space<semaphore_mem>>)
        %scan3A_300 = arith.constant 0 : i32
        scf.yield %scan3A_300 : i32
      }
      %scan3A_149 = arith.constant 8 : i32
      %scan3A_150 = arith.constant 0 : i32
      %scan3A_151 = arith.constant 0 : i32
      %scan3A_152 = arith.constant 8 : i32
      %scan3A_153 = arith.addi %scan3A_151, %scan3A_152 : i32
      %scan3A_154 = arith.constant 1 : i32
      %scan3A_155 = scf.for %scan3A_289 = %scan3A_151 to %scan3A_153 step %scan3A_154 iter_args(%scan3A_290 = %scan3A_150) -> (i32)  : i32 {
        %mul3A_291 = arith.constant 512 : i32
        %mul3A_292 = arith.muli %scan3A_289, %mul3A_291 : i32
        %mul3A_293 = arith.constant 512 : i32
        %mul3A_294 = arith.muli %scan3A_289, %mul3A_293 : i32
        %dma_start3A = tpu.memref_slice %arg17[%mul3A_294] : memref<4096xf32, #tpu.memory_space<vmem>> -> memref<512xf32, #tpu.memory_space<vmem>>
        %dma_start3A_295 = tpu.memref_slice %arg13[%mul3A_292] : memref<4096xi32, #tpu.memory_space<vmem>> -> memref<512xi32, #tpu.memory_space<vmem>>
        %dma_start3A_296 = arith.constant 524288 : i32
        %dma_start3A_297 = tpu.memref_slice %arg2[%dma_start3A_296] : memref<6291456xf32, #tpu.memory_space<hbm>> -> memref<5767168xf32, #tpu.memory_space<hbm>>
        %dma_start3A_298 = arith.constant 0 : i32
        %dma_start3A_299 = tpu.memref_slice %dma_start3A_297[%dma_start3A_298] : memref<5767168xf32, #tpu.memory_space<hbm>> -> memref<5767168xf32, #tpu.memory_space<hbm>>
        tpu.enqueue_indirect_dma source(%dma_start3A_299 : memref<5767168xf32, #tpu.memory_space<hbm>>) target(%dma_start3A : memref<512xf32, #tpu.memory_space<vmem>>) offsets(%dma_start3A_295 : memref<512xi32, #tpu.memory_space<vmem>>) semaphore(%arg28 : memref<!tpu.dma_semaphore, #tpu.memory_space<semaphore_mem>>)
        %scan3A_300 = arith.constant 0 : i32
        scf.yield %scan3A_300 : i32
      }
      %scan3A_156 = arith.constant 8 : i32
      %scan3A_157 = arith.constant 0 : i32
      %scan3A_158 = arith.constant 0 : i32
      %scan3A_159 = arith.constant 8 : i32
      %scan3A_160 = arith.addi %scan3A_158, %scan3A_159 : i32
      %scan3A_161 = arith.constant 1 : i32
      %scan3A_162 = scf.for %scan3A_289 = %scan3A_158 to %scan3A_160 step %scan3A_161 iter_args(%scan3A_290 = %scan3A_157) -> (i32)  : i32 {
        %mul3A_291 = arith.constant 512 : i32
        %mul3A_292 = arith.muli %scan3A_289, %mul3A_291 : i32
        %mul3A_293 = arith.constant 512 : i32
        %mul3A_294 = arith.muli %scan3A_289, %mul3A_293 : i32
        %dma_wait3A = tpu.memref_slice %arg19[%mul3A_294] : memref<4096xf32, #tpu.memory_space<vmem>> -> memref<512xf32, #tpu.memory_space<vmem>>
        %dma_wait3A_295 = tpu.memref_slice %arg18[%mul3A_292] : memref<4096xi32, #tpu.memory_space<vmem>> -> memref<512xi32, #tpu.memory_space<vmem>>
        %dma_wait3A_296 = arith.constant 0 : i32
        %dma_wait3A_297 = tpu.memref_slice %arg3[%dma_wait3A_296] : memref<1572864xf32, #tpu.memory_space<hbm>> -> memref<1572864xf32, #tpu.memory_space<hbm>>
        tpu.wait_indirect_dma semaphore(%arg27 : memref<!tpu.dma_semaphore, #tpu.memory_space<semaphore_mem>>) src(%dma_wait3A_297 : memref<1572864xf32, #tpu.memory_space<hbm>>) dst(%dma_wait3A : memref<512xf32, #tpu.memory_space<vmem>>)
        %scan3A_298 = arith.constant 0 : i32
        scf.yield %scan3A_298 : i32
      }
      %scan3A_163 = arith.constant 8 : i32
      %scan3A_164 = arith.constant 0 : i32
      %scan3A_165 = arith.constant 0 : i32
      %scan3A_166 = arith.constant 8 : i32
      %scan3A_167 = arith.addi %scan3A_165, %scan3A_166 : i32
      %scan3A_168 = arith.constant 1 : i32
      %scan3A_169 = scf.for %scan3A_289 = %scan3A_165 to %scan3A_167 step %scan3A_168 iter_args(%scan3A_290 = %scan3A_164) -> (i32)  : i32 {
        %mul3A_291 = arith.constant 512 : i32
        %mul3A_292 = arith.muli %scan3A_289, %mul3A_291 : i32
        %mul3A_293 = arith.constant 512 : i32
        %mul3A_294 = arith.muli %scan3A_289, %mul3A_293 : i32
        %dma_wait3A = tpu.memref_slice %arg20[%mul3A_294] : memref<4096xf32, #tpu.memory_space<vmem>> -> memref<512xf32, #tpu.memory_space<vmem>>
        %dma_wait3A_295 = tpu.memref_slice %arg18[%mul3A_292] : memref<4096xi32, #tpu.memory_space<vmem>> -> memref<512xi32, #tpu.memory_space<vmem>>
        %dma_wait3A_296 = arith.constant 0 : i32
        %dma_wait3A_297 = tpu.memref_slice %arg4[%dma_wait3A_296] : memref<1572864xf32, #tpu.memory_space<hbm>> -> memref<1572864xf32, #tpu.memory_space<hbm>>
        tpu.wait_indirect_dma semaphore(%arg27 : memref<!tpu.dma_semaphore, #tpu.memory_space<semaphore_mem>>) src(%dma_wait3A_297 : memref<1572864xf32, #tpu.memory_space<hbm>>) dst(%dma_wait3A : memref<512xf32, #tpu.memory_space<vmem>>)
        %scan3A_298 = arith.constant 0 : i32
        scf.yield %scan3A_298 : i32
      }
      %scan3A_170 = arith.constant 8 : i32
      %scan3A_171 = arith.constant 0 : i32
      %scan3A_172 = arith.constant 0 : i32
      %scan3A_173 = arith.constant 256 : i32
      %scan3A_174 = arith.addi %scan3A_172, %scan3A_173 : i32
      %scan3A_175 = arith.constant 1 : i32
      %scan3A_176 = scf.for %scan3A_289 = %scan3A_172 to %scan3A_174 step %scan3A_175 iter_args(%scan3A_290 = %scan3A_171) -> (i32)  : i32 {
        %mul3A_291 = arith.constant 16 : i32
        %mul3A_292 = arith.muli %scan3A_289, %mul3A_291 : i32
        %get3A = arith.index_cast %mul3A_292 : i32 to index
        %get3A_293 = tpu.vector_load %arg19[%get3A] {strides = array<i32>} : memref<4096xf32, #tpu.memory_space<vmem>>, vector<16xf32>,
        %get3A_294 = arith.index_cast %mul3A_292 : i32 to index
        %get3A_295 = tpu.vector_load %arg20[%get3A_294] {strides = array<i32>} : memref<4096xf32, #tpu.memory_space<vmem>>, vector<16xf32>,
        %mul3A_296 = arith.constant 5.110000e+02 : f32
        %mul3A_297 = vector.broadcast %mul3A_296 : f32 to vector<16xf32>
        %mul3A_298 = arith.mulf %get3A_293, %mul3A_297 : vector<16xf32>
        %add3A_299 = arith.constant 0x4B400000 : f32
        %add3A_300 = vector.broadcast %add3A_299 : f32 to vector<16xf32>
        %add3A_301 = arith.addf %mul3A_298, %add3A_300 : vector<16xf32>
        %sub3A_302 = arith.constant 0x4B400000 : f32
        %sub3A_303 = vector.broadcast %sub3A_302 : f32 to vector<16xf32>
        %sub3A_304 = arith.subf %add3A_301, %sub3A_303 : vector<16xf32>
        %sub3A_305 = arith.constant 1.000000e+00 : f32
        %sub3A_306 = vector.broadcast %sub3A_305 : f32 to vector<16xf32>
        %sub3A_307 = arith.subf %sub3A_306, %get3A_295 : vector<16xf32>
        %mul3A_308 = arith.constant 5.110000e+02 : f32
        %mul3A_309 = vector.broadcast %mul3A_308 : f32 to vector<16xf32>
        %mul3A_310 = arith.mulf %sub3A_307, %mul3A_309 : vector<16xf32>
        %add3A_311 = arith.constant 0x4B400000 : f32
        %add3A_312 = vector.broadcast %add3A_311 : f32 to vector<16xf32>
        %add3A_313 = arith.addf %mul3A_310, %add3A_312 : vector<16xf32>
        %sub3A_314 = arith.constant 0x4B400000 : f32
        %sub3A_315 = vector.broadcast %sub3A_314 : f32 to vector<16xf32>
        %sub3A_316 = arith.subf %add3A_313, %sub3A_315 : vector<16xf32>
        %mul3A_317 = arith.constant 5.120000e+02 : f32
        %mul3A_318 = vector.broadcast %mul3A_317 : f32 to vector<16xf32>
        %mul3A_319 = arith.mulf %sub3A_316, %mul3A_318 : vector<16xf32>
        %add3A_320 = arith.addf %mul3A_319, %sub3A_304 : vector<16xf32>
        %add3A_321 = vector.broadcast %convert_element_type3A : f32 to vector<16xf32>
        %add3A_322 = arith.addf %add3A_320, %add3A_321 : vector<16xf32>
        %convert_element_type3A_323 = arith.fptosi %add3A_322 : vector<16xf32> to vector<16xi32>
        %swap3A = arith.index_cast %mul3A_292 : i32 to index
        %swap3A_324 = tpu.vector_load %arg21[%swap3A] {strides = array<i32>} : memref<4096xi32, #tpu.memory_space<vmem>>, vector<16xi32>,
        tpu.vector_store %arg21[%swap3A], %convert_element_type3A_323 {strides = array<i32>} : memref<4096xi32, #tpu.memory_space<vmem>>, vector<16xi32>,
        %scan3A_325 = arith.constant 0 : i32
        scf.yield %scan3A_325 : i32
      }
      %scan3A_177 = arith.constant 256 : i32
      %scan3A_178 = arith.constant 0 : i32
      %scan3A_179 = arith.constant 0 : i32
      %scan3A_180 = arith.constant 8 : i32
      %scan3A_181 = arith.addi %scan3A_179, %scan3A_180 : i32
      %scan3A_182 = arith.constant 1 : i32
      %scan3A_183 = scf.for %scan3A_289 = %scan3A_179 to %scan3A_181 step %scan3A_182 iter_args(%scan3A_290 = %scan3A_178) -> (i32)  : i32 {
        %mul3A_291 = arith.constant 512 : i32
        %mul3A_292 = arith.muli %scan3A_289, %mul3A_291 : i32
        %mul3A_293 = arith.constant 512 : i32
        %mul3A_294 = arith.muli %scan3A_289, %mul3A_293 : i32
        %dma_start3A = tpu.memref_slice %arg23[%mul3A_294] : memref<4096xf32, #tpu.memory_space<vmem>> -> memref<512xf32, #tpu.memory_space<vmem>>
        %dma_start3A_295 = tpu.memref_slice %arg21[%mul3A_292] : memref<4096xi32, #tpu.memory_space<vmem>> -> memref<512xi32, #tpu.memory_space<vmem>>
        %dma_start3A_296 = arith.constant 0 : i32
        %dma_start3A_297 = tpu.memref_slice %arg2[%dma_start3A_296] : memref<6291456xf32, #tpu.memory_space<hbm>> -> memref<6291456xf32, #tpu.memory_space<hbm>>
        tpu.enqueue_indirect_dma source(%dma_start3A_297 : memref<6291456xf32, #tpu.memory_space<hbm>>) target(%dma_start3A : memref<512xf32, #tpu.memory_space<vmem>>) offsets(%dma_start3A_295 : memref<512xi32, #tpu.memory_space<vmem>>) semaphore(%arg29 : memref<!tpu.dma_semaphore, #tpu.memory_space<semaphore_mem>>)
        %scan3A_298 = arith.constant 0 : i32
        scf.yield %scan3A_298 : i32
      }
      %scan3A_184 = arith.constant 8 : i32
      %scan3A_185 = arith.constant 0 : i32
      %scan3A_186 = arith.constant 0 : i32
      %scan3A_187 = arith.constant 8 : i32
      %scan3A_188 = arith.addi %scan3A_186, %scan3A_187 : i32
      %scan3A_189 = arith.constant 1 : i32
      %scan3A_190 = scf.for %scan3A_289 = %scan3A_186 to %scan3A_188 step %scan3A_189 iter_args(%scan3A_290 = %scan3A_185) -> (i32)  : i32 {
        %mul3A_291 = arith.constant 512 : i32
        %mul3A_292 = arith.muli %scan3A_289, %mul3A_291 : i32
        %mul3A_293 = arith.constant 512 : i32
        %mul3A_294 = arith.muli %scan3A_289, %mul3A_293 : i32
        %dma_start3A = tpu.memref_slice %arg24[%mul3A_294] : memref<4096xf32, #tpu.memory_space<vmem>> -> memref<512xf32, #tpu.memory_space<vmem>>
        %dma_start3A_295 = tpu.memref_slice %arg21[%mul3A_292] : memref<4096xi32, #tpu.memory_space<vmem>> -> memref<512xi32, #tpu.memory_space<vmem>>
        %dma_start3A_296 = arith.constant 262144 : i32
        %dma_start3A_297 = tpu.memref_slice %arg2[%dma_start3A_296] : memref<6291456xf32, #tpu.memory_space<hbm>> -> memref<6029312xf32, #tpu.memory_space<hbm>>
        %dma_start3A_298 = arith.constant 0 : i32
        %dma_start3A_299 = tpu.memref_slice %dma_start3A_297[%dma_start3A_298] : memref<6029312xf32, #tpu.memory_space<hbm>> -> memref<6029312xf32, #tpu.memory_space<hbm>>
        tpu.enqueue_indirect_dma source(%dma_start3A_299 : memref<6029312xf32, #tpu.memory_space<hbm>>) target(%dma_start3A : memref<512xf32, #tpu.memory_space<vmem>>) offsets(%dma_start3A_295 : memref<512xi32, #tpu.memory_space<vmem>>) semaphore(%arg29 : memref<!tpu.dma_semaphore, #tpu.memory_space<semaphore_mem>>)
        %scan3A_300 = arith.constant 0 : i32
        scf.yield %scan3A_300 : i32
      }
      %scan3A_191 = arith.constant 8 : i32
      %scan3A_192 = arith.constant 0 : i32
      %scan3A_193 = arith.constant 0 : i32
      %scan3A_194 = arith.constant 8 : i32
      %scan3A_195 = arith.addi %scan3A_193, %scan3A_194 : i32
      %scan3A_196 = arith.constant 1 : i32
      %scan3A_197 = scf.for %scan3A_289 = %scan3A_193 to %scan3A_195 step %scan3A_196 iter_args(%scan3A_290 = %scan3A_192) -> (i32)  : i32 {
        %mul3A_291 = arith.constant 512 : i32
        %mul3A_292 = arith.muli %scan3A_289, %mul3A_291 : i32
        %mul3A_293 = arith.constant 512 : i32
        %mul3A_294 = arith.muli %scan3A_289, %mul3A_293 : i32
        %dma_start3A = tpu.memref_slice %arg25[%mul3A_294] : memref<4096xf32, #tpu.memory_space<vmem>> -> memref<512xf32, #tpu.memory_space<vmem>>
        %dma_start3A_295 = tpu.memref_slice %arg21[%mul3A_292] : memref<4096xi32, #tpu.memory_space<vmem>> -> memref<512xi32, #tpu.memory_space<vmem>>
        %dma_start3A_296 = arith.constant 524288 : i32
        %dma_start3A_297 = tpu.memref_slice %arg2[%dma_start3A_296] : memref<6291456xf32, #tpu.memory_space<hbm>> -> memref<5767168xf32, #tpu.memory_space<hbm>>
        %dma_start3A_298 = arith.constant 0 : i32
        %dma_start3A_299 = tpu.memref_slice %dma_start3A_297[%dma_start3A_298] : memref<5767168xf32, #tpu.memory_space<hbm>> -> memref<5767168xf32, #tpu.memory_space<hbm>>
        tpu.enqueue_indirect_dma source(%dma_start3A_299 : memref<5767168xf32, #tpu.memory_space<hbm>>) target(%dma_start3A : memref<512xf32, #tpu.memory_space<vmem>>) offsets(%dma_start3A_295 : memref<512xi32, #tpu.memory_space<vmem>>) semaphore(%arg29 : memref<!tpu.dma_semaphore, #tpu.memory_space<semaphore_mem>>)
        %scan3A_300 = arith.constant 0 : i32
        scf.yield %scan3A_300 : i32
      }
      %scan3A_198 = arith.constant 8 : i32
      %scan3A_199 = arith.constant 0 : i32
      %scan3A_200 = arith.constant 0 : i32
      %scan3A_201 = arith.constant 8 : i32
      %scan3A_202 = arith.addi %scan3A_200, %scan3A_201 : i32
      %scan3A_203 = arith.constant 1 : i32
      %scan3A_204 = scf.for %scan3A_289 = %scan3A_200 to %scan3A_202 step %scan3A_203 iter_args(%scan3A_290 = %scan3A_199) -> (i32)  : i32 {
        %mul3A_291 = arith.constant 512 : i32
        %mul3A_292 = arith.muli %scan3A_289, %mul3A_291 : i32
        %mul3A_293 = arith.constant 512 : i32
        %mul3A_294 = arith.muli %scan3A_289, %mul3A_293 : i32
        %dma_wait3A = tpu.memref_slice %arg15[%mul3A_294] : memref<4096xf32, #tpu.memory_space<vmem>> -> memref<512xf32, #tpu.memory_space<vmem>>
        %dma_wait3A_295 = tpu.memref_slice %arg13[%mul3A_292] : memref<4096xi32, #tpu.memory_space<vmem>> -> memref<512xi32, #tpu.memory_space<vmem>>
        %dma_wait3A_296 = arith.constant 0 : i32
        %dma_wait3A_297 = tpu.memref_slice %arg2[%dma_wait3A_296] : memref<6291456xf32, #tpu.memory_space<hbm>> -> memref<6291456xf32, #tpu.memory_space<hbm>>
        tpu.wait_indirect_dma semaphore(%arg28 : memref<!tpu.dma_semaphore, #tpu.memory_space<semaphore_mem>>) src(%dma_wait3A_297 : memref<6291456xf32, #tpu.memory_space<hbm>>) dst(%dma_wait3A : memref<512xf32, #tpu.memory_space<vmem>>)
        %scan3A_298 = arith.constant 0 : i32
        scf.yield %scan3A_298 : i32
      }
      %scan3A_205 = arith.constant 8 : i32
      %scan3A_206 = arith.constant 0 : i32
      %scan3A_207 = arith.constant 0 : i32
      %scan3A_208 = arith.constant 8 : i32
      %scan3A_209 = arith.addi %scan3A_207, %scan3A_208 : i32
      %scan3A_210 = arith.constant 1 : i32
      %scan3A_211 = scf.for %scan3A_289 = %scan3A_207 to %scan3A_209 step %scan3A_210 iter_args(%scan3A_290 = %scan3A_206) -> (i32)  : i32 {
        %mul3A_291 = arith.constant 512 : i32
        %mul3A_292 = arith.muli %scan3A_289, %mul3A_291 : i32
        %mul3A_293 = arith.constant 512 : i32
        %mul3A_294 = arith.muli %scan3A_289, %mul3A_293 : i32
        %dma_wait3A = tpu.memref_slice %arg16[%mul3A_294] : memref<4096xf32, #tpu.memory_space<vmem>> -> memref<512xf32, #tpu.memory_space<vmem>>
        %dma_wait3A_295 = tpu.memref_slice %arg13[%mul3A_292] : memref<4096xi32, #tpu.memory_space<vmem>> -> memref<512xi32, #tpu.memory_space<vmem>>
        %dma_wait3A_296 = arith.constant 262144 : i32
        %dma_wait3A_297 = tpu.memref_slice %arg2[%dma_wait3A_296] : memref<6291456xf32, #tpu.memory_space<hbm>> -> memref<6029312xf32, #tpu.memory_space<hbm>>
        %dma_wait3A_298 = arith.constant 0 : i32
        %dma_wait3A_299 = tpu.memref_slice %dma_wait3A_297[%dma_wait3A_298] : memref<6029312xf32, #tpu.memory_space<hbm>> -> memref<6029312xf32, #tpu.memory_space<hbm>>
        tpu.wait_indirect_dma semaphore(%arg28 : memref<!tpu.dma_semaphore, #tpu.memory_space<semaphore_mem>>) src(%dma_wait3A_299 : memref<6029312xf32, #tpu.memory_space<hbm>>) dst(%dma_wait3A : memref<512xf32, #tpu.memory_space<vmem>>)
        %scan3A_300 = arith.constant 0 : i32
        scf.yield %scan3A_300 : i32
      }
      %scan3A_212 = arith.constant 8 : i32
      %scan3A_213 = arith.constant 0 : i32
      %scan3A_214 = arith.constant 0 : i32
      %scan3A_215 = arith.constant 8 : i32
      %scan3A_216 = arith.addi %scan3A_214, %scan3A_215 : i32
      %scan3A_217 = arith.constant 1 : i32
      %scan3A_218 = scf.for %scan3A_289 = %scan3A_214 to %scan3A_216 step %scan3A_217 iter_args(%scan3A_290 = %scan3A_213) -> (i32)  : i32 {
        %mul3A_291 = arith.constant 512 : i32
        %mul3A_292 = arith.muli %scan3A_289, %mul3A_291 : i32
        %mul3A_293 = arith.constant 512 : i32
        %mul3A_294 = arith.muli %scan3A_289, %mul3A_293 : i32
        %dma_wait3A = tpu.memref_slice %arg17[%mul3A_294] : memref<4096xf32, #tpu.memory_space<vmem>> -> memref<512xf32, #tpu.memory_space<vmem>>
        %dma_wait3A_295 = tpu.memref_slice %arg13[%mul3A_292] : memref<4096xi32, #tpu.memory_space<vmem>> -> memref<512xi32, #tpu.memory_space<vmem>>
        %dma_wait3A_296 = arith.constant 524288 : i32
        %dma_wait3A_297 = tpu.memref_slice %arg2[%dma_wait3A_296] : memref<6291456xf32, #tpu.memory_space<hbm>> -> memref<5767168xf32, #tpu.memory_space<hbm>>
        %dma_wait3A_298 = arith.constant 0 : i32
        %dma_wait3A_299 = tpu.memref_slice %dma_wait3A_297[%dma_wait3A_298] : memref<5767168xf32, #tpu.memory_space<hbm>> -> memref<5767168xf32, #tpu.memory_space<hbm>>
        tpu.wait_indirect_dma semaphore(%arg28 : memref<!tpu.dma_semaphore, #tpu.memory_space<semaphore_mem>>) src(%dma_wait3A_299 : memref<5767168xf32, #tpu.memory_space<hbm>>) dst(%dma_wait3A : memref<512xf32, #tpu.memory_space<vmem>>)
        %scan3A_300 = arith.constant 0 : i32
        scf.yield %scan3A_300 : i32
      }
      %scan3A_219 = arith.constant 8 : i32
      %scan3A_220 = arith.constant 0 : i32
      %scan3A_221 = arith.constant 0 : i32
      %scan3A_222 = arith.constant 256 : i32
      %scan3A_223 = arith.addi %scan3A_221, %scan3A_222 : i32
      %scan3A_224 = arith.constant 1 : i32
      %scan3A_225 = scf.for %scan3A_289 = %scan3A_221 to %scan3A_223 step %scan3A_224 iter_args(%scan3A_290 = %scan3A_220) -> (i32)  : i32 {
        %mul3A_291 = arith.constant 16 : i32
        %mul3A_292 = arith.muli %scan3A_289, %mul3A_291 : i32
        %get3A = arith.index_cast %mul3A_292 : i32 to index
        %get3A_293 = tpu.vector_load %arg14[%get3A] {strides = array<i32>} : memref<4096xf32, #tpu.memory_space<vmem>>, vector<16xf32>,
        %get3A_294 = arith.index_cast %mul3A_292 : i32 to index
        %get3A_295 = tpu.vector_load %arg15[%get3A_294] {strides = array<i32>} : memref<4096xf32, #tpu.memory_space<vmem>>, vector<16xf32>,
        %mul3A_296 = arith.mulf %get3A_295, %get3A_293 : vector<16xf32>
        %swap3A = arith.index_cast %mul3A_292 : i32 to index
        %swap3A_297 = tpu.vector_load %arg15[%swap3A] {strides = array<i32>} : memref<4096xf32, #tpu.memory_space<vmem>>, vector<16xf32>,
        tpu.vector_store %arg15[%swap3A], %mul3A_296 {strides = array<i32>} : memref<4096xf32, #tpu.memory_space<vmem>>, vector<16xf32>,
        %get3A_298 = arith.index_cast %mul3A_292 : i32 to index
        %get3A_299 = tpu.vector_load %arg16[%get3A_298] {strides = array<i32>} : memref<4096xf32, #tpu.memory_space<vmem>>, vector<16xf32>,
        %mul3A_300 = arith.mulf %get3A_299, %get3A_293 : vector<16xf32>
        %swap3A_301 = arith.index_cast %mul3A_292 : i32 to index
        %swap3A_302 = tpu.vector_load %arg16[%swap3A_301] {strides = array<i32>} : memref<4096xf32, #tpu.memory_space<vmem>>, vector<16xf32>,
        tpu.vector_store %arg16[%swap3A_301], %mul3A_300 {strides = array<i32>} : memref<4096xf32, #tpu.memory_space<vmem>>, vector<16xf32>,
        %get3A_303 = arith.index_cast %mul3A_292 : i32 to index
        %get3A_304 = tpu.vector_load %arg17[%get3A_303] {strides = array<i32>} : memref<4096xf32, #tpu.memory_space<vmem>>, vector<16xf32>,
        %mul3A_305 = arith.mulf %get3A_304, %get3A_293 : vector<16xf32>
        %swap3A_306 = arith.index_cast %mul3A_292 : i32 to index
        %swap3A_307 = tpu.vector_load %arg17[%swap3A_306] {strides = array<i32>} : memref<4096xf32, #tpu.memory_space<vmem>>, vector<16xf32>,
        tpu.vector_store %arg17[%swap3A_306], %mul3A_305 {strides = array<i32>} : memref<4096xf32, #tpu.memory_space<vmem>>, vector<16xf32>,
        %scan3A_308 = arith.constant 0 : i32
        scf.yield %scan3A_308 : i32
      }
      %scan3A_226 = arith.constant 256 : i32
      %mul3A_227 = arith.constant 65536 : i32
      %mul3A_228 = arith.muli %select_n3A_30, %mul3A_227 : i32
      %mul3A_229 = arith.constant 4096 : i32
      %mul3A_230 = arith.muli %mul3A_110, %mul3A_229 : i32
      %add3A_231 = arith.addi %mul3A_228, %mul3A_230 : i32
      %add3A_232 = arith.addi %mul3A_36, %add3A_231 : i32
      "tpu.region"() ({
        %run_scoped3A = tpu.sem_alloc : memref<!tpu.dma_semaphore, #tpu.memory_space<semaphore_mem>>
        %dma_start3A = tpu.memref_slice %arg6[%add3A_232] : memref<6291456xf32, #tpu.memory_space<hbm>> -> memref<4096xf32, #tpu.memory_space<hbm>>
        %dma_start3A_289 = tpu.memref_slice %arg6[%add3A_232] : memref<6291456xf32, #tpu.memory_space<hbm>> -> memref<4096xf32, #tpu.memory_space<hbm>>
        tpu.enqueue_dma source(%arg15 : memref<4096xf32, #tpu.memory_space<vmem>>) target(%dma_start3A_289 : memref<4096xf32, #tpu.memory_space<hbm>>) target_semaphore(%run_scoped3A : memref<!tpu.dma_semaphore, #tpu.memory_space<semaphore_mem>>)
        %dma_wait3A = tpu.memref_slice %arg6[%add3A_232] : memref<6291456xf32, #tpu.memory_space<hbm>> -> memref<4096xf32, #tpu.memory_space<hbm>>
        %dma_wait3A_290 = tpu.memref_slice %arg6[%add3A_232] : memref<6291456xf32, #tpu.memory_space<hbm>> -> memref<4096xf32, #tpu.memory_space<hbm>>
        tpu.wait_dma2 semaphore(%run_scoped3A : memref<!tpu.dma_semaphore, #tpu.memory_space<semaphore_mem>>) src(%arg15 : memref<4096xf32, #tpu.memory_space<vmem>>) dst(%dma_wait3A_290 : memref<4096xf32, #tpu.memory_space<hbm>>)
        tpu.yield
      }) : () -> ()
      %add3A_233 = arith.constant 262144 : i32
      %add3A_234 = arith.addi %mul3A_36, %add3A_233 : i32
      %add3A_235 = arith.addi %add3A_234, %add3A_231 : i32
      "tpu.region"() ({
        %run_scoped3A = tpu.sem_alloc : memref<!tpu.dma_semaphore, #tpu.memory_space<semaphore_mem>>
        %dma_start3A = tpu.memref_slice %arg6[%add3A_235] : memref<6291456xf32, #tpu.memory_space<hbm>> -> memref<4096xf32, #tpu.memory_space<hbm>>
        %dma_start3A_289 = tpu.memref_slice %arg6[%add3A_235] : memref<6291456xf32, #tpu.memory_space<hbm>> -> memref<4096xf32, #tpu.memory_space<hbm>>
        tpu.enqueue_dma source(%arg16 : memref<4096xf32, #tpu.memory_space<vmem>>) target(%dma_start3A_289 : memref<4096xf32, #tpu.memory_space<hbm>>) target_semaphore(%run_scoped3A : memref<!tpu.dma_semaphore, #tpu.memory_space<semaphore_mem>>)
        %dma_wait3A = tpu.memref_slice %arg6[%add3A_235] : memref<6291456xf32, #tpu.memory_space<hbm>> -> memref<4096xf32, #tpu.memory_space<hbm>>
        %dma_wait3A_290 = tpu.memref_slice %arg6[%add3A_235] : memref<6291456xf32, #tpu.memory_space<hbm>> -> memref<4096xf32, #tpu.memory_space<hbm>>
        tpu.wait_dma2 semaphore(%run_scoped3A : memref<!tpu.dma_semaphore, #tpu.memory_space<semaphore_mem>>) src(%arg16 : memref<4096xf32, #tpu.memory_space<vmem>>) dst(%dma_wait3A_290 : memref<4096xf32, #tpu.memory_space<hbm>>)
        tpu.yield
      }) : () -> ()
      %add3A_236 = arith.constant 524288 : i32
      %add3A_237 = arith.addi %mul3A_36, %add3A_236 : i32
      %add3A_238 = arith.addi %add3A_237, %add3A_231 : i32
      "tpu.region"() ({
        %run_scoped3A = tpu.sem_alloc : memref<!tpu.dma_semaphore, #tpu.memory_space<semaphore_mem>>
        %dma_start3A = tpu.memref_slice %arg6[%add3A_238] : memref<6291456xf32, #tpu.memory_space<hbm>> -> memref<4096xf32, #tpu.memory_space<hbm>>
        %dma_start3A_289 = tpu.memref_slice %arg6[%add3A_238] : memref<6291456xf32, #tpu.memory_space<hbm>> -> memref<4096xf32, #tpu.memory_space<hbm>>
        tpu.enqueue_dma source(%arg17 : memref<4096xf32, #tpu.memory_space<vmem>>) target(%dma_start3A_289 : memref<4096xf32, #tpu.memory_space<hbm>>) target_semaphore(%run_scoped3A : memref<!tpu.dma_semaphore, #tpu.memory_space<semaphore_mem>>)
        %dma_wait3A = tpu.memref_slice %arg6[%add3A_238] : memref<6291456xf32, #tpu.memory_space<hbm>> -> memref<4096xf32, #tpu.memory_space<hbm>>
        %dma_wait3A_290 = tpu.memref_slice %arg6[%add3A_238] : memref<6291456xf32, #tpu.memory_space<hbm>> -> memref<4096xf32, #tpu.memory_space<hbm>>
        tpu.wait_dma2 semaphore(%run_scoped3A : memref<!tpu.dma_semaphore, #tpu.memory_space<semaphore_mem>>) src(%arg17 : memref<4096xf32, #tpu.memory_space<vmem>>) dst(%dma_wait3A_290 : memref<4096xf32, #tpu.memory_space<hbm>>)
        tpu.yield
      }) : () -> ()
      %lt3A_239 = arith.constant 7 : i32
      %lt3A_240 = arith.cmpi slt, %scan3A_107, %lt3A_239 : i32
      %convert_element_type3A_241 = arith.extui %lt3A_240 : i1 to i32
      %cond3A = arith.constant 0 : i32
      %cond3A_242 = arith.cmpi ne, %convert_element_type3A_241, %cond3A : i32
      scf.if %cond3A_242 {
        %add3A_289 = arith.constant 2 : i32
        %add3A_290 = arith.addi %mul3A_110, %add3A_289 : i32
        %mul3A_291 = arith.constant 65536 : i32
        %mul3A_292 = arith.muli %select_n3A_30, %mul3A_291 : i32
        %mul3A_293 = arith.constant 4096 : i32
        %mul3A_294 = arith.muli %add3A_290, %mul3A_293 : i32
        %add3A_295 = arith.addi %mul3A_292, %mul3A_294 : i32
        %add3A_296 = arith.addi %mul3A_36, %add3A_295 : i32
        "tpu.region"() ({
          %run_scoped3A = tpu.sem_alloc : memref<!tpu.dma_semaphore, #tpu.memory_space<semaphore_mem>>
          %dma_start3A = tpu.memref_slice %arg5[%add3A_296] : memref<6291456xi32, #tpu.memory_space<hbm>> -> memref<4096xi32, #tpu.memory_space<hbm>>
          %dma_start3A_324 = tpu.memref_slice %arg5[%add3A_296] : memref<6291456xi32, #tpu.memory_space<hbm>> -> memref<4096xi32, #tpu.memory_space<hbm>>
          tpu.enqueue_dma source(%dma_start3A_324 : memref<4096xi32, #tpu.memory_space<hbm>>) target(%arg7 : memref<4096xi32, #tpu.memory_space<vmem>>) target_semaphore(%run_scoped3A : memref<!tpu.dma_semaphore, #tpu.memory_space<semaphore_mem>>)
          %dma_wait3A = tpu.memref_slice %arg5[%add3A_296] : memref<6291456xi32, #tpu.memory_space<hbm>> -> memref<4096xi32, #tpu.memory_space<hbm>>
          %dma_wait3A_325 = tpu.memref_slice %arg5[%add3A_296] : memref<6291456xi32, #tpu.memory_space<hbm>> -> memref<4096xi32, #tpu.memory_space<hbm>>
          tpu.wait_dma2 semaphore(%run_scoped3A : memref<!tpu.dma_semaphore, #tpu.memory_space<semaphore_mem>>) src(%dma_wait3A_325 : memref<4096xi32, #tpu.memory_space<hbm>>) dst(%arg7 : memref<4096xi32, #tpu.memory_space<vmem>>)
          tpu.yield
        }) : () -> ()
        %add3A_297 = arith.constant 262144 : i32
        %add3A_298 = arith.addi %mul3A_36, %add3A_297 : i32
        %add3A_299 = arith.addi %add3A_298, %add3A_295 : i32
        "tpu.region"() ({
          %run_scoped3A = tpu.sem_alloc : memref<!tpu.dma_semaphore, #tpu.memory_space<semaphore_mem>>
          %dma_start3A = tpu.memref_slice %arg5[%add3A_299] : memref<6291456xi32, #tpu.memory_space<hbm>> -> memref<4096xi32, #tpu.memory_space<hbm>>
          %dma_start3A_324 = tpu.memref_slice %arg5[%add3A_299] : memref<6291456xi32, #tpu.memory_space<hbm>> -> memref<4096xi32, #tpu.memory_space<hbm>>
          tpu.enqueue_dma source(%dma_start3A_324 : memref<4096xi32, #tpu.memory_space<hbm>>) target(%arg8 : memref<4096xi32, #tpu.memory_space<vmem>>) target_semaphore(%run_scoped3A : memref<!tpu.dma_semaphore, #tpu.memory_space<semaphore_mem>>)
          %dma_wait3A = tpu.memref_slice %arg5[%add3A_299] : memref<6291456xi32, #tpu.memory_space<hbm>> -> memref<4096xi32, #tpu.memory_space<hbm>>
          %dma_wait3A_325 = tpu.memref_slice %arg5[%add3A_299] : memref<6291456xi32, #tpu.memory_space<hbm>> -> memref<4096xi32, #tpu.memory_space<hbm>>
          tpu.wait_dma2 semaphore(%run_scoped3A : memref<!tpu.dma_semaphore, #tpu.memory_space<semaphore_mem>>) src(%dma_wait3A_325 : memref<4096xi32, #tpu.memory_space<hbm>>) dst(%arg8 : memref<4096xi32, #tpu.memory_space<vmem>>)
          tpu.yield
        }) : () -> ()
        %add3A_300 = arith.constant 524288 : i32
        %add3A_301 = arith.addi %mul3A_36, %add3A_300 : i32
        %add3A_302 = arith.addi %add3A_301, %add3A_295 : i32
        "tpu.region"() ({
          %run_scoped3A = tpu.sem_alloc : memref<!tpu.dma_semaphore, #tpu.memory_space<semaphore_mem>>
          %dma_start3A = tpu.memref_slice %arg5[%add3A_302] : memref<6291456xi32, #tpu.memory_space<hbm>> -> memref<4096xi32, #tpu.memory_space<hbm>>
          %dma_start3A_324 = tpu.memref_slice %arg5[%add3A_302] : memref<6291456xi32, #tpu.memory_space<hbm>> -> memref<4096xi32, #tpu.memory_space<hbm>>
          tpu.enqueue_dma source(%dma_start3A_324 : memref<4096xi32, #tpu.memory_space<hbm>>) target(%arg9 : memref<4096xi32, #tpu.memory_space<vmem>>) target_semaphore(%run_scoped3A : memref<!tpu.dma_semaphore, #tpu.memory_space<semaphore_mem>>)
          %dma_wait3A = tpu.memref_slice %arg5[%add3A_302] : memref<6291456xi32, #tpu.memory_space<hbm>> -> memref<4096xi32, #tpu.memory_space<hbm>>
          %dma_wait3A_325 = tpu.memref_slice %arg5[%add3A_302] : memref<6291456xi32, #tpu.memory_space<hbm>> -> memref<4096xi32, #tpu.memory_space<hbm>>
          tpu.wait_dma2 semaphore(%run_scoped3A : memref<!tpu.dma_semaphore, #tpu.memory_space<semaphore_mem>>) src(%dma_wait3A_325 : memref<4096xi32, #tpu.memory_space<hbm>>) dst(%arg9 : memref<4096xi32, #tpu.memory_space<vmem>>)
          tpu.yield
        }) : () -> ()
        %scan3A_303 = arith.constant 0 : i32
        %scan3A_304 = arith.constant 0 : i32
        %scan3A_305 = arith.constant 256 : i32
        %scan3A_306 = arith.addi %scan3A_304, %scan3A_305 : i32
        %scan3A_307 = arith.constant 1 : i32
        %scan3A_308 = scf.for %scan3A_324 = %scan3A_304 to %scan3A_306 step %scan3A_307 iter_args(%scan3A_325 = %scan3A_303) -> (i32)  : i32 {
          %mul3A_326 = arith.constant 16 : i32
          %mul3A_327 = arith.muli %scan3A_324, %mul3A_326 : i32
          %get3A = arith.index_cast %mul3A_327 : i32 to index
          %get3A_328 = tpu.vector_load %arg7[%get3A] {strides = array<i32>} : memref<4096xi32, #tpu.memory_space<vmem>>, vector<16xi32>,
          %get3A_329 = arith.index_cast %mul3A_327 : i32 to index
          %get3A_330 = tpu.vector_load %arg8[%get3A_329] {strides = array<i32>} : memref<4096xi32, #tpu.memory_space<vmem>>, vector<16xi32>,
          %get3A_331 = arith.index_cast %mul3A_327 : i32 to index
          %get3A_332 = tpu.vector_load %arg9[%get3A_331] {strides = array<i32>} : memref<4096xi32, #tpu.memory_space<vmem>>, vector<16xi32>,
          %gt3A = arith.constant 0 : i32
          %gt3A_333 = vector.broadcast %gt3A : i32 to vector<16xi32>
          %gt3A_334 = arith.cmpi sgt, %get3A_328, %gt3A_333 : vector<16xi32>
          %sub3A_335 = arith.constant 1 : i32
          %sub3A_336 = vector.broadcast %sub3A_335 : i32 to vector<16xi32>
          %sub3A_337 = arith.subi %get3A_328, %sub3A_336 : vector<16xi32>
          %jit3A_338 = arith.constant 0 : i32
          %broadcast_in_dim3A = vector.broadcast %jit3A_338 : i32 to vector<16xi32>
          %select_n3A_339 = arith.select %gt3A_334, %sub3A_337, %broadcast_in_dim3A : vector<16xi1>, vector<16xi32>
          %shift_left3A = arith.constant 16 : i32
          %shift_left3A_340 = vector.broadcast %shift_left3A : i32 to vector<16xi32>
          %shift_left3A_341 = arith.shli %select_n3A_339, %shift_left3A_340 : vector<16xi32>
          %shift_left3A_342 = arith.constant 8 : i32
          %shift_left3A_343 = vector.broadcast %shift_left3A_342 : i32 to vector<16xi32>
          %shift_left3A_344 = arith.shli %get3A_332, %shift_left3A_343 : vector<16xi32>
          %or3A = arith.ori %shift_left3A_341, %shift_left3A_344 : vector<16xi32>
          %or3A_345 = arith.ori %or3A, %get3A_330 : vector<16xi32>
          %swap3A = arith.index_cast %mul3A_327 : i32 to index
          %swap3A_346 = tpu.vector_load %arg10[%swap3A] {strides = array<i32>} : memref<4096xi32, #tpu.memory_space<vmem>>, vector<16xi32>,
          tpu.vector_store %arg10[%swap3A], %or3A_345 {strides = array<i32>} : memref<4096xi32, #tpu.memory_space<vmem>>, vector<16xi32>,
          %gt3A_347 = arith.constant 0 : i32
          %gt3A_348 = vector.broadcast %gt3A_347 : i32 to vector<16xi32>
          %gt3A_349 = arith.cmpi sgt, %get3A_328, %gt3A_348 : vector<16xi32>
          %jit3A_350 = arith.constant 1.000000e+00 : f32
          %jit3A_351 = arith.constant 0.000000e+00 : f32
          %broadcast_in_dim3A_352 = vector.broadcast %jit3A_350 : f32 to vector<16xf32>
          %broadcast_in_dim3A_353 = vector.broadcast %jit3A_351 : f32 to vector<16xf32>
          %select_n3A_354 = arith.select %gt3A_349, %broadcast_in_dim3A_352, %broadcast_in_dim3A_353 : vector<16xi1>, vector<16xf32>
          %swap3A_355 = arith.index_cast %mul3A_327 : i32 to index
          %swap3A_356 = tpu.vector_load %arg14[%swap3A_355] {strides = array<i32>} : memref<4096xf32, #tpu.memory_space<vmem>>, vector<16xf32>,
          tpu.vector_store %arg14[%swap3A_355], %select_n3A_354 {strides = array<i32>} : memref<4096xf32, #tpu.memory_space<vmem>>, vector<16xf32>,
          %scan3A_357 = arith.constant 0 : i32
          scf.yield %scan3A_357 : i32
        }
        %scan3A_309 = arith.constant 256 : i32
        %scan3A_310 = arith.constant 0 : i32
        %scan3A_311 = arith.constant 0 : i32
        %scan3A_312 = arith.constant 8 : i32
        %scan3A_313 = arith.addi %scan3A_311, %scan3A_312 : i32
        %scan3A_314 = arith.constant 1 : i32
        %scan3A_315 = scf.for %scan3A_324 = %scan3A_311 to %scan3A_313 step %scan3A_314 iter_args(%scan3A_325 = %scan3A_310) -> (i32)  : i32 {
          %mul3A_326 = arith.constant 512 : i32
          %mul3A_327 = arith.muli %scan3A_324, %mul3A_326 : i32
          %mul3A_328 = arith.constant 512 : i32
          %mul3A_329 = arith.muli %scan3A_324, %mul3A_328 : i32
          %dma_start3A = tpu.memref_slice %arg11[%mul3A_329] : memref<4096xf32, #tpu.memory_space<vmem>> -> memref<512xf32, #tpu.memory_space<vmem>>
          %dma_start3A_330 = tpu.memref_slice %arg10[%mul3A_327] : memref<4096xi32, #tpu.memory_space<vmem>> -> memref<512xi32, #tpu.memory_space<vmem>>
          %dma_start3A_331 = arith.constant 0 : i32
          %dma_start3A_332 = tpu.memref_slice %arg3[%dma_start3A_331] : memref<1572864xf32, #tpu.memory_space<hbm>> -> memref<1572864xf32, #tpu.memory_space<hbm>>
          tpu.enqueue_indirect_dma source(%dma_start3A_332 : memref<1572864xf32, #tpu.memory_space<hbm>>) target(%dma_start3A : memref<512xf32, #tpu.memory_space<vmem>>) offsets(%dma_start3A_330 : memref<512xi32, #tpu.memory_space<vmem>>) semaphore(%arg26 : memref<!tpu.dma_semaphore, #tpu.memory_space<semaphore_mem>>)
          %scan3A_333 = arith.constant 0 : i32
          scf.yield %scan3A_333 : i32
        }
        %scan3A_316 = arith.constant 8 : i32
        %scan3A_317 = arith.constant 0 : i32
        %scan3A_318 = arith.constant 0 : i32
        %scan3A_319 = arith.constant 8 : i32
        %scan3A_320 = arith.addi %scan3A_318, %scan3A_319 : i32
        %scan3A_321 = arith.constant 1 : i32
        %scan3A_322 = scf.for %scan3A_324 = %scan3A_318 to %scan3A_320 step %scan3A_321 iter_args(%scan3A_325 = %scan3A_317) -> (i32)  : i32 {
          %mul3A_326 = arith.constant 512 : i32
          %mul3A_327 = arith.muli %scan3A_324, %mul3A_326 : i32
          %mul3A_328 = arith.constant 512 : i32
          %mul3A_329 = arith.muli %scan3A_324, %mul3A_328 : i32
          %dma_start3A = tpu.memref_slice %arg12[%mul3A_329] : memref<4096xf32, #tpu.memory_space<vmem>> -> memref<512xf32, #tpu.memory_space<vmem>>
          %dma_start3A_330 = tpu.memref_slice %arg10[%mul3A_327] : memref<4096xi32, #tpu.memory_space<vmem>> -> memref<512xi32, #tpu.memory_space<vmem>>
          %dma_start3A_331 = arith.constant 0 : i32
          %dma_start3A_332 = tpu.memref_slice %arg4[%dma_start3A_331] : memref<1572864xf32, #tpu.memory_space<hbm>> -> memref<1572864xf32, #tpu.memory_space<hbm>>
          tpu.enqueue_indirect_dma source(%dma_start3A_332 : memref<1572864xf32, #tpu.memory_space<hbm>>) target(%dma_start3A : memref<512xf32, #tpu.memory_space<vmem>>) offsets(%dma_start3A_330 : memref<512xi32, #tpu.memory_space<vmem>>) semaphore(%arg26 : memref<!tpu.dma_semaphore, #tpu.memory_space<semaphore_mem>>)
          %scan3A_333 = arith.constant 0 : i32
          scf.yield %scan3A_333 : i32
        }
        %scan3A_323 = arith.constant 8 : i32
      } else {
      }
      %scan3A_243 = arith.constant 0 : i32
      %scan3A_244 = arith.constant 0 : i32
      %scan3A_245 = arith.constant 8 : i32
      %scan3A_246 = arith.addi %scan3A_244, %scan3A_245 : i32
      %scan3A_247 = arith.constant 1 : i32
      %scan3A_248 = scf.for %scan3A_289 = %scan3A_244 to %scan3A_246 step %scan3A_247 iter_args(%scan3A_290 = %scan3A_243) -> (i32)  : i32 {
        %mul3A_291 = arith.constant 512 : i32
        %mul3A_292 = arith.muli %scan3A_289, %mul3A_291 : i32
        %mul3A_293 = arith.constant 512 : i32
        %mul3A_294 = arith.muli %scan3A_289, %mul3A_293 : i32
        %dma_wait3A = tpu.memref_slice %arg23[%mul3A_294] : memref<4096xf32, #tpu.memory_space<vmem>> -> memref<512xf32, #tpu.memory_space<vmem>>
        %dma_wait3A_295 = tpu.memref_slice %arg21[%mul3A_292] : memref<4096xi32, #tpu.memory_space<vmem>> -> memref<512xi32, #tpu.memory_space<vmem>>
        %dma_wait3A_296 = arith.constant 0 : i32
        %dma_wait3A_297 = tpu.memref_slice %arg2[%dma_wait3A_296] : memref<6291456xf32, #tpu.memory_space<hbm>> -> memref<6291456xf32, #tpu.memory_space<hbm>>
        tpu.wait_indirect_dma semaphore(%arg29 : memref<!tpu.dma_semaphore, #tpu.memory_space<semaphore_mem>>) src(%dma_wait3A_297 : memref<6291456xf32, #tpu.memory_space<hbm>>) dst(%dma_wait3A : memref<512xf32, #tpu.memory_space<vmem>>)
        %scan3A_298 = arith.constant 0 : i32
        scf.yield %scan3A_298 : i32
      }
      %scan3A_249 = arith.constant 8 : i32
      %scan3A_250 = arith.constant 0 : i32
      %scan3A_251 = arith.constant 0 : i32
      %scan3A_252 = arith.constant 8 : i32
      %scan3A_253 = arith.addi %scan3A_251, %scan3A_252 : i32
      %scan3A_254 = arith.constant 1 : i32
      %scan3A_255 = scf.for %scan3A_289 = %scan3A_251 to %scan3A_253 step %scan3A_254 iter_args(%scan3A_290 = %scan3A_250) -> (i32)  : i32 {
        %mul3A_291 = arith.constant 512 : i32
        %mul3A_292 = arith.muli %scan3A_289, %mul3A_291 : i32
        %mul3A_293 = arith.constant 512 : i32
        %mul3A_294 = arith.muli %scan3A_289, %mul3A_293 : i32
        %dma_wait3A = tpu.memref_slice %arg24[%mul3A_294] : memref<4096xf32, #tpu.memory_space<vmem>> -> memref<512xf32, #tpu.memory_space<vmem>>
        %dma_wait3A_295 = tpu.memref_slice %arg21[%mul3A_292] : memref<4096xi32, #tpu.memory_space<vmem>> -> memref<512xi32, #tpu.memory_space<vmem>>
        %dma_wait3A_296 = arith.constant 262144 : i32
        %dma_wait3A_297 = tpu.memref_slice %arg2[%dma_wait3A_296] : memref<6291456xf32, #tpu.memory_space<hbm>> -> memref<6029312xf32, #tpu.memory_space<hbm>>
        %dma_wait3A_298 = arith.constant 0 : i32
        %dma_wait3A_299 = tpu.memref_slice %dma_wait3A_297[%dma_wait3A_298] : memref<6029312xf32, #tpu.memory_space<hbm>> -> memref<6029312xf32, #tpu.memory_space<hbm>>
        tpu.wait_indirect_dma semaphore(%arg29 : memref<!tpu.dma_semaphore, #tpu.memory_space<semaphore_mem>>) src(%dma_wait3A_299 : memref<6029312xf32, #tpu.memory_space<hbm>>) dst(%dma_wait3A : memref<512xf32, #tpu.memory_space<vmem>>)
        %scan3A_300 = arith.constant 0 : i32
        scf.yield %scan3A_300 : i32
      }
      %scan3A_256 = arith.constant 8 : i32
      %scan3A_257 = arith.constant 0 : i32
      %scan3A_258 = arith.constant 0 : i32
      %scan3A_259 = arith.constant 8 : i32
      %scan3A_260 = arith.addi %scan3A_258, %scan3A_259 : i32
      %scan3A_261 = arith.constant 1 : i32
      %scan3A_262 = scf.for %scan3A_289 = %scan3A_258 to %scan3A_260 step %scan3A_261 iter_args(%scan3A_290 = %scan3A_257) -> (i32)  : i32 {
        %mul3A_291 = arith.constant 512 : i32
        %mul3A_292 = arith.muli %scan3A_289, %mul3A_291 : i32
        %mul3A_293 = arith.constant 512 : i32
        %mul3A_294 = arith.muli %scan3A_289, %mul3A_293 : i32
        %dma_wait3A = tpu.memref_slice %arg25[%mul3A_294] : memref<4096xf32, #tpu.memory_space<vmem>> -> memref<512xf32, #tpu.memory_space<vmem>>
        %dma_wait3A_295 = tpu.memref_slice %arg21[%mul3A_292] : memref<4096xi32, #tpu.memory_space<vmem>> -> memref<512xi32, #tpu.memory_space<vmem>>
        %dma_wait3A_296 = arith.constant 524288 : i32
        %dma_wait3A_297 = tpu.memref_slice %arg2[%dma_wait3A_296] : memref<6291456xf32, #tpu.memory_space<hbm>> -> memref<5767168xf32, #tpu.memory_space<hbm>>
        %dma_wait3A_298 = arith.constant 0 : i32
        %dma_wait3A_299 = tpu.memref_slice %dma_wait3A_297[%dma_wait3A_298] : memref<5767168xf32, #tpu.memory_space<hbm>> -> memref<5767168xf32, #tpu.memory_space<hbm>>
        tpu.wait_indirect_dma semaphore(%arg29 : memref<!tpu.dma_semaphore, #tpu.memory_space<semaphore_mem>>) src(%dma_wait3A_299 : memref<5767168xf32, #tpu.memory_space<hbm>>) dst(%dma_wait3A : memref<512xf32, #tpu.memory_space<vmem>>)
        %scan3A_300 = arith.constant 0 : i32
        scf.yield %scan3A_300 : i32
      }
      %scan3A_263 = arith.constant 8 : i32
      %scan3A_264 = arith.constant 0 : i32
      %scan3A_265 = arith.constant 0 : i32
      %scan3A_266 = arith.constant 256 : i32
      %scan3A_267 = arith.addi %scan3A_265, %scan3A_266 : i32
      %scan3A_268 = arith.constant 1 : i32
      %scan3A_269 = scf.for %scan3A_289 = %scan3A_265 to %scan3A_267 step %scan3A_268 iter_args(%scan3A_290 = %scan3A_264) -> (i32)  : i32 {
        %mul3A_291 = arith.constant 16 : i32
        %mul3A_292 = arith.muli %scan3A_289, %mul3A_291 : i32
        %get3A = arith.index_cast %mul3A_292 : i32 to index
        %get3A_293 = tpu.vector_load %arg22[%get3A] {strides = array<i32>} : memref<4096xf32, #tpu.memory_space<vmem>>, vector<16xf32>,
        %get3A_294 = arith.index_cast %mul3A_292 : i32 to index
        %get3A_295 = tpu.vector_load %arg23[%get3A_294] {strides = array<i32>} : memref<4096xf32, #tpu.memory_space<vmem>>, vector<16xf32>,
        %mul3A_296 = arith.mulf %get3A_295, %get3A_293 : vector<16xf32>
        %swap3A = arith.index_cast %mul3A_292 : i32 to index
        %swap3A_297 = tpu.vector_load %arg23[%swap3A] {strides = array<i32>} : memref<4096xf32, #tpu.memory_space<vmem>>, vector<16xf32>,
        tpu.vector_store %arg23[%swap3A], %mul3A_296 {strides = array<i32>} : memref<4096xf32, #tpu.memory_space<vmem>>, vector<16xf32>,
        %get3A_298 = arith.index_cast %mul3A_292 : i32 to index
        %get3A_299 = tpu.vector_load %arg24[%get3A_298] {strides = array<i32>} : memref<4096xf32, #tpu.memory_space<vmem>>, vector<16xf32>,
        %mul3A_300 = arith.mulf %get3A_299, %get3A_293 : vector<16xf32>
        %swap3A_301 = arith.index_cast %mul3A_292 : i32 to index
        %swap3A_302 = tpu.vector_load %arg24[%swap3A_301] {strides = array<i32>} : memref<4096xf32, #tpu.memory_space<vmem>>, vector<16xf32>,
        tpu.vector_store %arg24[%swap3A_301], %mul3A_300 {strides = array<i32>} : memref<4096xf32, #tpu.memory_space<vmem>>, vector<16xf32>,
        %get3A_303 = arith.index_cast %mul3A_292 : i32 to index
        %get3A_304 = tpu.vector_load %arg25[%get3A_303] {strides = array<i32>} : memref<4096xf32, #tpu.memory_space<vmem>>, vector<16xf32>,
        %mul3A_305 = arith.mulf %get3A_304, %get3A_293 : vector<16xf32>
        %swap3A_306 = arith.index_cast %mul3A_292 : i32 to index
        %swap3A_307 = tpu.vector_load %arg25[%swap3A_306] {strides = array<i32>} : memref<4096xf32, #tpu.memory_space<vmem>>, vector<16xf32>,
        tpu.vector_store %arg25[%swap3A_306], %mul3A_305 {strides = array<i32>} : memref<4096xf32, #tpu.memory_space<vmem>>, vector<16xf32>,
        %scan3A_308 = arith.constant 0 : i32
        scf.yield %scan3A_308 : i32
      }
      %scan3A_270 = arith.constant 256 : i32
      %mul3A_271 = arith.constant 65536 : i32
      %mul3A_272 = arith.muli %select_n3A_30, %mul3A_271 : i32
      %mul3A_273 = arith.constant 4096 : i32
      %mul3A_274 = arith.muli %add3A_114, %mul3A_273 : i32
      %add3A_275 = arith.addi %mul3A_272, %mul3A_274 : i32
      %add3A_276 = arith.addi %mul3A_36, %add3A_275 : i32
      "tpu.region"() ({
        %run_scoped3A = tpu.sem_alloc : memref<!tpu.dma_semaphore, #tpu.memory_space<semaphore_mem>>
        %dma_start3A = tpu.memref_slice %arg6[%add3A_276] : memref<6291456xf32, #tpu.memory_space<hbm>> -> memref<4096xf32, #tpu.memory_space<hbm>>
        %dma_start3A_289 = tpu.memref_slice %arg6[%add3A_276] : memref<6291456xf32, #tpu.memory_space<hbm>> -> memref<4096xf32, #tpu.memory_space<hbm>>
        tpu.enqueue_dma source(%arg23 : memref<4096xf32, #tpu.memory_space<vmem>>) target(%dma_start3A_289 : memref<4096xf32, #tpu.memory_space<hbm>>) target_semaphore(%run_scoped3A : memref<!tpu.dma_semaphore, #tpu.memory_space<semaphore_mem>>)
        %dma_wait3A = tpu.memref_slice %arg6[%add3A_276] : memref<6291456xf32, #tpu.memory_space<hbm>> -> memref<4096xf32, #tpu.memory_space<hbm>>
        %dma_wait3A_290 = tpu.memref_slice %arg6[%add3A_276] : memref<6291456xf32, #tpu.memory_space<hbm>> -> memref<4096xf32, #tpu.memory_space<hbm>>
        tpu.wait_dma2 semaphore(%run_scoped3A : memref<!tpu.dma_semaphore, #tpu.memory_space<semaphore_mem>>) src(%arg23 : memref<4096xf32, #tpu.memory_space<vmem>>) dst(%dma_wait3A_290 : memref<4096xf32, #tpu.memory_space<hbm>>)
        tpu.yield
      }) : () -> ()
      %add3A_277 = arith.constant 262144 : i32
      %add3A_278 = arith.addi %mul3A_36, %add3A_277 : i32
      %add3A_279 = arith.addi %add3A_278, %add3A_275 : i32
      "tpu.region"() ({
        %run_scoped3A = tpu.sem_alloc : memref<!tpu.dma_semaphore, #tpu.memory_space<semaphore_mem>>
        %dma_start3A = tpu.memref_slice %arg6[%add3A_279] : memref<6291456xf32, #tpu.memory_space<hbm>> -> memref<4096xf32, #tpu.memory_space<hbm>>
        %dma_start3A_289 = tpu.memref_slice %arg6[%add3A_279] : memref<6291456xf32, #tpu.memory_space<hbm>> -> memref<4096xf32, #tpu.memory_space<hbm>>
        tpu.enqueue_dma source(%arg24 : memref<4096xf32, #tpu.memory_space<vmem>>) target(%dma_start3A_289 : memref<4096xf32, #tpu.memory_space<hbm>>) target_semaphore(%run_scoped3A : memref<!tpu.dma_semaphore, #tpu.memory_space<semaphore_mem>>)
        %dma_wait3A = tpu.memref_slice %arg6[%add3A_279] : memref<6291456xf32, #tpu.memory_space<hbm>> -> memref<4096xf32, #tpu.memory_space<hbm>>
        %dma_wait3A_290 = tpu.memref_slice %arg6[%add3A_279] : memref<6291456xf32, #tpu.memory_space<hbm>> -> memref<4096xf32, #tpu.memory_space<hbm>>
        tpu.wait_dma2 semaphore(%run_scoped3A : memref<!tpu.dma_semaphore, #tpu.memory_space<semaphore_mem>>) src(%arg24 : memref<4096xf32, #tpu.memory_space<vmem>>) dst(%dma_wait3A_290 : memref<4096xf32, #tpu.memory_space<hbm>>)
        tpu.yield
      }) : () -> ()
      %add3A_280 = arith.constant 524288 : i32
      %add3A_281 = arith.addi %mul3A_36, %add3A_280 : i32
      %add3A_282 = arith.addi %add3A_281, %add3A_275 : i32
      "tpu.region"() ({
        %run_scoped3A = tpu.sem_alloc : memref<!tpu.dma_semaphore, #tpu.memory_space<semaphore_mem>>
        %dma_start3A = tpu.memref_slice %arg6[%add3A_282] : memref<6291456xf32, #tpu.memory_space<hbm>> -> memref<4096xf32, #tpu.memory_space<hbm>>
        %dma_start3A_289 = tpu.memref_slice %arg6[%add3A_282] : memref<6291456xf32, #tpu.memory_space<hbm>> -> memref<4096xf32, #tpu.memory_space<hbm>>
        tpu.enqueue_dma source(%arg25 : memref<4096xf32, #tpu.memory_space<vmem>>) target(%dma_start3A_289 : memref<4096xf32, #tpu.memory_space<hbm>>) target_semaphore(%run_scoped3A : memref<!tpu.dma_semaphore, #tpu.memory_space<semaphore_mem>>)
        %dma_wait3A = tpu.memref_slice %arg6[%add3A_282] : memref<6291456xf32, #tpu.memory_space<hbm>> -> memref<4096xf32, #tpu.memory_space<hbm>>
        %dma_wait3A_290 = tpu.memref_slice %arg6[%add3A_282] : memref<6291456xf32, #tpu.memory_space<hbm>> -> memref<4096xf32, #tpu.memory_space<hbm>>
        tpu.wait_dma2 semaphore(%run_scoped3A : memref<!tpu.dma_semaphore, #tpu.memory_space<semaphore_mem>>) src(%arg25 : memref<4096xf32, #tpu.memory_space<vmem>>) dst(%dma_wait3A_290 : memref<4096xf32, #tpu.memory_space<hbm>>)
        tpu.yield
      }) : () -> ()
      %lt3A_283 = arith.constant 7 : i32
      %lt3A_284 = arith.cmpi slt, %scan3A_107, %lt3A_283 : i32
      %convert_element_type3A_285 = arith.extui %lt3A_284 : i1 to i32
      %cond3A_286 = arith.constant 0 : i32
      %cond3A_287 = arith.cmpi ne, %convert_element_type3A_285, %cond3A_286 : i32
      scf.if %cond3A_287 {
        %add3A_289 = arith.constant 2 : i32
        %add3A_290 = arith.addi %add3A_114, %add3A_289 : i32
        %mul3A_291 = arith.constant 65536 : i32
        %mul3A_292 = arith.muli %select_n3A_30, %mul3A_291 : i32
        %mul3A_293 = arith.constant 4096 : i32
        %mul3A_294 = arith.muli %add3A_290, %mul3A_293 : i32
        %add3A_295 = arith.addi %mul3A_292, %mul3A_294 : i32
        %add3A_296 = arith.addi %mul3A_36, %add3A_295 : i32
        "tpu.region"() ({
          %run_scoped3A = tpu.sem_alloc : memref<!tpu.dma_semaphore, #tpu.memory_space<semaphore_mem>>
          %dma_start3A = tpu.memref_slice %arg5[%add3A_296] : memref<6291456xi32, #tpu.memory_space<hbm>> -> memref<4096xi32, #tpu.memory_space<hbm>>
          %dma_start3A_324 = tpu.memref_slice %arg5[%add3A_296] : memref<6291456xi32, #tpu.memory_space<hbm>> -> memref<4096xi32, #tpu.memory_space<hbm>>
          tpu.enqueue_dma source(%dma_start3A_324 : memref<4096xi32, #tpu.memory_space<hbm>>) target(%arg7 : memref<4096xi32, #tpu.memory_space<vmem>>) target_semaphore(%run_scoped3A : memref<!tpu.dma_semaphore, #tpu.memory_space<semaphore_mem>>)
          %dma_wait3A = tpu.memref_slice %arg5[%add3A_296] : memref<6291456xi32, #tpu.memory_space<hbm>> -> memref<4096xi32, #tpu.memory_space<hbm>>
          %dma_wait3A_325 = tpu.memref_slice %arg5[%add3A_296] : memref<6291456xi32, #tpu.memory_space<hbm>> -> memref<4096xi32, #tpu.memory_space<hbm>>
          tpu.wait_dma2 semaphore(%run_scoped3A : memref<!tpu.dma_semaphore, #tpu.memory_space<semaphore_mem>>) src(%dma_wait3A_325 : memref<4096xi32, #tpu.memory_space<hbm>>) dst(%arg7 : memref<4096xi32, #tpu.memory_space<vmem>>)
          tpu.yield
        }) : () -> ()
        %add3A_297 = arith.constant 262144 : i32
        %add3A_298 = arith.addi %mul3A_36, %add3A_297 : i32
        %add3A_299 = arith.addi %add3A_298, %add3A_295 : i32
        "tpu.region"() ({
          %run_scoped3A = tpu.sem_alloc : memref<!tpu.dma_semaphore, #tpu.memory_space<semaphore_mem>>
          %dma_start3A = tpu.memref_slice %arg5[%add3A_299] : memref<6291456xi32, #tpu.memory_space<hbm>> -> memref<4096xi32, #tpu.memory_space<hbm>>
          %dma_start3A_324 = tpu.memref_slice %arg5[%add3A_299] : memref<6291456xi32, #tpu.memory_space<hbm>> -> memref<4096xi32, #tpu.memory_space<hbm>>
          tpu.enqueue_dma source(%dma_start3A_324 : memref<4096xi32, #tpu.memory_space<hbm>>) target(%arg8 : memref<4096xi32, #tpu.memory_space<vmem>>) target_semaphore(%run_scoped3A : memref<!tpu.dma_semaphore, #tpu.memory_space<semaphore_mem>>)
          %dma_wait3A = tpu.memref_slice %arg5[%add3A_299] : memref<6291456xi32, #tpu.memory_space<hbm>> -> memref<4096xi32, #tpu.memory_space<hbm>>
          %dma_wait3A_325 = tpu.memref_slice %arg5[%add3A_299] : memref<6291456xi32, #tpu.memory_space<hbm>> -> memref<4096xi32, #tpu.memory_space<hbm>>
          tpu.wait_dma2 semaphore(%run_scoped3A : memref<!tpu.dma_semaphore, #tpu.memory_space<semaphore_mem>>) src(%dma_wait3A_325 : memref<4096xi32, #tpu.memory_space<hbm>>) dst(%arg8 : memref<4096xi32, #tpu.memory_space<vmem>>)
          tpu.yield
        }) : () -> ()
        %add3A_300 = arith.constant 524288 : i32
        %add3A_301 = arith.addi %mul3A_36, %add3A_300 : i32
        %add3A_302 = arith.addi %add3A_301, %add3A_295 : i32
        "tpu.region"() ({
          %run_scoped3A = tpu.sem_alloc : memref<!tpu.dma_semaphore, #tpu.memory_space<semaphore_mem>>
          %dma_start3A = tpu.memref_slice %arg5[%add3A_302] : memref<6291456xi32, #tpu.memory_space<hbm>> -> memref<4096xi32, #tpu.memory_space<hbm>>
          %dma_start3A_324 = tpu.memref_slice %arg5[%add3A_302] : memref<6291456xi32, #tpu.memory_space<hbm>> -> memref<4096xi32, #tpu.memory_space<hbm>>
          tpu.enqueue_dma source(%dma_start3A_324 : memref<4096xi32, #tpu.memory_space<hbm>>) target(%arg9 : memref<4096xi32, #tpu.memory_space<vmem>>) target_semaphore(%run_scoped3A : memref<!tpu.dma_semaphore, #tpu.memory_space<semaphore_mem>>)
          %dma_wait3A = tpu.memref_slice %arg5[%add3A_302] : memref<6291456xi32, #tpu.memory_space<hbm>> -> memref<4096xi32, #tpu.memory_space<hbm>>
          %dma_wait3A_325 = tpu.memref_slice %arg5[%add3A_302] : memref<6291456xi32, #tpu.memory_space<hbm>> -> memref<4096xi32, #tpu.memory_space<hbm>>
          tpu.wait_dma2 semaphore(%run_scoped3A : memref<!tpu.dma_semaphore, #tpu.memory_space<semaphore_mem>>) src(%dma_wait3A_325 : memref<4096xi32, #tpu.memory_space<hbm>>) dst(%arg9 : memref<4096xi32, #tpu.memory_space<vmem>>)
          tpu.yield
        }) : () -> ()
        %scan3A_303 = arith.constant 0 : i32
        %scan3A_304 = arith.constant 0 : i32
        %scan3A_305 = arith.constant 256 : i32
        %scan3A_306 = arith.addi %scan3A_304, %scan3A_305 : i32
        %scan3A_307 = arith.constant 1 : i32
        %scan3A_308 = scf.for %scan3A_324 = %scan3A_304 to %scan3A_306 step %scan3A_307 iter_args(%scan3A_325 = %scan3A_303) -> (i32)  : i32 {
          %mul3A_326 = arith.constant 16 : i32
          %mul3A_327 = arith.muli %scan3A_324, %mul3A_326 : i32
          %get3A = arith.index_cast %mul3A_327 : i32 to index
          %get3A_328 = tpu.vector_load %arg7[%get3A] {strides = array<i32>} : memref<4096xi32, #tpu.memory_space<vmem>>, vector<16xi32>,
          %get3A_329 = arith.index_cast %mul3A_327 : i32 to index
          %get3A_330 = tpu.vector_load %arg8[%get3A_329] {strides = array<i32>} : memref<4096xi32, #tpu.memory_space<vmem>>, vector<16xi32>,
          %get3A_331 = arith.index_cast %mul3A_327 : i32 to index
          %get3A_332 = tpu.vector_load %arg9[%get3A_331] {strides = array<i32>} : memref<4096xi32, #tpu.memory_space<vmem>>, vector<16xi32>,
          %gt3A = arith.constant 0 : i32
          %gt3A_333 = vector.broadcast %gt3A : i32 to vector<16xi32>
          %gt3A_334 = arith.cmpi sgt, %get3A_328, %gt3A_333 : vector<16xi32>
          %sub3A_335 = arith.constant 1 : i32
          %sub3A_336 = vector.broadcast %sub3A_335 : i32 to vector<16xi32>
          %sub3A_337 = arith.subi %get3A_328, %sub3A_336 : vector<16xi32>
          %jit3A_338 = arith.constant 0 : i32
          %broadcast_in_dim3A = vector.broadcast %jit3A_338 : i32 to vector<16xi32>
          %select_n3A_339 = arith.select %gt3A_334, %sub3A_337, %broadcast_in_dim3A : vector<16xi1>, vector<16xi32>
          %shift_left3A = arith.constant 16 : i32
          %shift_left3A_340 = vector.broadcast %shift_left3A : i32 to vector<16xi32>
          %shift_left3A_341 = arith.shli %select_n3A_339, %shift_left3A_340 : vector<16xi32>
          %shift_left3A_342 = arith.constant 8 : i32
          %shift_left3A_343 = vector.broadcast %shift_left3A_342 : i32 to vector<16xi32>
          %shift_left3A_344 = arith.shli %get3A_332, %shift_left3A_343 : vector<16xi32>
          %or3A = arith.ori %shift_left3A_341, %shift_left3A_344 : vector<16xi32>
          %or3A_345 = arith.ori %or3A, %get3A_330 : vector<16xi32>
          %swap3A = arith.index_cast %mul3A_327 : i32 to index
          %swap3A_346 = tpu.vector_load %arg18[%swap3A] {strides = array<i32>} : memref<4096xi32, #tpu.memory_space<vmem>>, vector<16xi32>,
          tpu.vector_store %arg18[%swap3A], %or3A_345 {strides = array<i32>} : memref<4096xi32, #tpu.memory_space<vmem>>, vector<16xi32>,
          %gt3A_347 = arith.constant 0 : i32
          %gt3A_348 = vector.broadcast %gt3A_347 : i32 to vector<16xi32>
          %gt3A_349 = arith.cmpi sgt, %get3A_328, %gt3A_348 : vector<16xi32>
          %jit3A_350 = arith.constant 1.000000e+00 : f32
          %jit3A_351 = arith.constant 0.000000e+00 : f32
          %broadcast_in_dim3A_352 = vector.broadcast %jit3A_350 : f32 to vector<16xf32>
          %broadcast_in_dim3A_353 = vector.broadcast %jit3A_351 : f32 to vector<16xf32>
          %select_n3A_354 = arith.select %gt3A_349, %broadcast_in_dim3A_352, %broadcast_in_dim3A_353 : vector<16xi1>, vector<16xf32>
          %swap3A_355 = arith.index_cast %mul3A_327 : i32 to index
          %swap3A_356 = tpu.vector_load %arg22[%swap3A_355] {strides = array<i32>} : memref<4096xf32, #tpu.memory_space<vmem>>, vector<16xf32>,
          tpu.vector_store %arg22[%swap3A_355], %select_n3A_354 {strides = array<i32>} : memref<4096xf32, #tpu.memory_space<vmem>>, vector<16xf32>,
          %scan3A_357 = arith.constant 0 : i32
          scf.yield %scan3A_357 : i32
        }
        %scan3A_309 = arith.constant 256 : i32
        %scan3A_310 = arith.constant 0 : i32
        %scan3A_311 = arith.constant 0 : i32
        %scan3A_312 = arith.constant 8 : i32
        %scan3A_313 = arith.addi %scan3A_311, %scan3A_312 : i32
        %scan3A_314 = arith.constant 1 : i32
        %scan3A_315 = scf.for %scan3A_324 = %scan3A_311 to %scan3A_313 step %scan3A_314 iter_args(%scan3A_325 = %scan3A_310) -> (i32)  : i32 {
          %mul3A_326 = arith.constant 512 : i32
          %mul3A_327 = arith.muli %scan3A_324, %mul3A_326 : i32
          %mul3A_328 = arith.constant 512 : i32
          %mul3A_329 = arith.muli %scan3A_324, %mul3A_328 : i32
          %dma_start3A = tpu.memref_slice %arg19[%mul3A_329] : memref<4096xf32, #tpu.memory_space<vmem>> -> memref<512xf32, #tpu.memory_space<vmem>>
          %dma_start3A_330 = tpu.memref_slice %arg18[%mul3A_327] : memref<4096xi32, #tpu.memory_space<vmem>> -> memref<512xi32, #tpu.memory_space<vmem>>
          %dma_start3A_331 = arith.constant 0 : i32
          %dma_start3A_332 = tpu.memref_slice %arg3[%dma_start3A_331] : memref<1572864xf32, #tpu.memory_space<hbm>> -> memref<1572864xf32, #tpu.memory_space<hbm>>
          tpu.enqueue_indirect_dma source(%dma_start3A_332 : memref<1572864xf32, #tpu.memory_space<hbm>>) target(%dma_start3A : memref<512xf32, #tpu.memory_space<vmem>>) offsets(%dma_start3A_330 : memref<512xi32, #tpu.memory_space<vmem>>) semaphore(%arg27 : memref<!tpu.dma_semaphore, #tpu.memory_space<semaphore_mem>>)
          %scan3A_333 = arith.constant 0 : i32
          scf.yield %scan3A_333 : i32
        }
        %scan3A_316 = arith.constant 8 : i32
        %scan3A_317 = arith.constant 0 : i32
        %scan3A_318 = arith.constant 0 : i32
        %scan3A_319 = arith.constant 8 : i32
        %scan3A_320 = arith.addi %scan3A_318, %scan3A_319 : i32
        %scan3A_321 = arith.constant 1 : i32
        %scan3A_322 = scf.for %scan3A_324 = %scan3A_318 to %scan3A_320 step %scan3A_321 iter_args(%scan3A_325 = %scan3A_317) -> (i32)  : i32 {
          %mul3A_326 = arith.constant 512 : i32
          %mul3A_327 = arith.muli %scan3A_324, %mul3A_326 : i32
          %mul3A_328 = arith.constant 512 : i32
          %mul3A_329 = arith.muli %scan3A_324, %mul3A_328 : i32
          %dma_start3A = tpu.memref_slice %arg20[%mul3A_329] : memref<4096xf32, #tpu.memory_space<vmem>> -> memref<512xf32, #tpu.memory_space<vmem>>
          %dma_start3A_330 = tpu.memref_slice %arg18[%mul3A_327] : memref<4096xi32, #tpu.memory_space<vmem>> -> memref<512xi32, #tpu.memory_space<vmem>>
          %dma_start3A_331 = arith.constant 0 : i32
          %dma_start3A_332 = tpu.memref_slice %arg4[%dma_start3A_331] : memref<1572864xf32, #tpu.memory_space<hbm>> -> memref<1572864xf32, #tpu.memory_space<hbm>>
          tpu.enqueue_indirect_dma source(%dma_start3A_332 : memref<1572864xf32, #tpu.memory_space<hbm>>) target(%dma_start3A : memref<512xf32, #tpu.memory_space<vmem>>) offsets(%dma_start3A_330 : memref<512xi32, #tpu.memory_space<vmem>>) semaphore(%arg27 : memref<!tpu.dma_semaphore, #tpu.memory_space<semaphore_mem>>)
          %scan3A_333 = arith.constant 0 : i32
          scf.yield %scan3A_333 : i32
        }
        %scan3A_323 = arith.constant 8 : i32
      } else {
      }
      %scan3A_288 = arith.constant 0 : i32
      scf.yield %scan3A_288 : i32
    }
    %scan3A_106 = arith.constant 8 : i32
    return
  }
}

</mosaic_0001>

<sc_bundles>
// kernel: kernel.3.cloned.1.call-start
scs
__scs_entry_jumppad:
0x0: {  	(pc) =	sbr.rel $0x88, $3  }
0x1: {  	(tag) =	ssettag $0x0;
	lr =	simm.s32 $0x1  }
0x2: {  	[smem:$0x3F9E] =	sst lr;
	_ =	strace $0xD0000000  }
0x3: {  	_ = 	snop  }
0x4: {  	_ = 	snop  }
0x5: {  	_ = 	snop  }
0x6: {  	_ = 	snop  }
0x7: {  	_ = 	snop  }
__scs_overlays_trampoline_lowered:
0x8: {  	[smem:$0x3FAD] =	sst s0  }
0x9: {  	[smem:$0x3FAE] =	sst s1  }
0xa: {  	[smem:$0x3FAF] =	sst s2  }
0xb: {  	[smem:$0x3FB0] =	sst s3  }
0xc: {  	[smem:$0x3FB1] =	sst s4  }
0xd: {  	[smem:$0x3FB2] =	sst s5  }
0xe: {  	[smem:$0x3FB3] =	sst s6  }
0xf: {  	[smem:$0x3FB4] =	sst s7  }
0x10: {  	[smem:$0x3FB5] =	sst s8  }
0x11: {  	[smem:$0x3FB6] =	sst s9;
	s0 =	simm.s32 @!p0 $0x0  }
0x12: {  	s1 =	sld [smem:$0x3F9C];
	s0 =	simm.s32 @p0 $0x1  }
0x13: {  	[smem:$0x3FB7] =	sst s0;
	s0 =	simm.s32 @!p1 $0x0  }
0x14: {  	s2 =	sld [smem:$0x3F9B];
	s0 =	simm.s32 @p1 $0x1  }
0x15: {  	[smem:$0x3FB8] =	sst s0;
	s0 =	simm.s32 @!p2 $0x0  }
0x16: {  	s3 =	sld [smem:$0x3FDB];
	s0 =	simm.s32 @p2 $0x1  }
0x17: {  	s4 =	simm.s32 $0x1BF5;
	[smem:$0x3FBA] =	sst s0  }
0x18: {  	s0 =	sld [smem:$0x3F9D];
	_ =	swait.ge [sflag:s4], $0x0  }
0x19: {  	s7 =	sld [smem:$0x3F9E]  }
0x1a: {  	s8 =	sadd.s32 $0xFFFFE003, lr  }
0x1b: {  	s9 =	sadd.s32 $0xFFFFFEF7, lr;
	s5 =	simm.s32 $0xFFFFFFFF;
	p2 =	slt.u32 s8, $0xFFFFF086  }
0x1c: {  	p1 =	slt.u32 s9, $0xF7A;
	s5 =	simm.s32 @!p2 $0x0  }
0x1d: {  	s5 =	simm.s32 @p1 $0x1;
	p0 =	seq.s32 s7, s2  }
0x1e: {  	s7 =	smul.u32 @!p0 $0xF7A, s2;
	p2 =	seq.s32 @!p0 s5, $0x0  }
0x1f: {  	s9 =	smul.u32 $0xF7A, s1;
	s8 =	simm.s32 @!p0 $0x1BF5;
	p2 =	por !p2, p0  }
0x20: {  	[sflag:s8] =	ssyncset.s32 @!p0 $0xFFFFF086;
	s6 =	sadd.s32 @!p0 s3, s7;
	s7 =	simm.s32 @!p0 $0x108  }
0x21: {  	s3 =	sadd.s32 s3, s9;
	s6 =	sadd.s32 @!p0 $0x88, s6;
	s7 =	simm.s32 @p2 $0x1082  }
0x22: {  	[simem:s7], [sflag:s8] =	dma.local @!p0 [hbm:s6], $0xF7A  }
0x23: {  	s9 =	sor.u32 $0xD0000000, s2;
	s6 =	simm.s32 $0x108;
	_ =	swait.ge @!p0 [sflag:s8], $0x0  }
0x24: {  	s3 =	sadd.s32 $0x88, s3;
	s6 =	simm.s32 @!p1 $0x1082;
	[sflag:s4] =	ssyncset.s32 $0xFFFFF086  }
0x25: {  	[simem:s6], [sflag:s4] =	dma.local [hbm:s3], $0xF7A  }
0x26: {  	[smem:$0x3F9E] =	sst s1;
	(tag) =	ssettag s2;
	_ =	strace s9  }
0x27: {  	s1 =	sld [smem:$0x3FAE]  }
0x28: {  	s2 =	sld [smem:$0x3FAF]  }
0x29: {  	s4 =	sld [smem:$0x3FB1]  }
0x2a: {  	p0 =	seq.s32 s5, $0x0;
	s5 =	sld [smem:$0x3FB2]  }
0x2b: {  	s6 =	sld [smem:$0x3FB3]  }
0x2c: {  	s7 =	sld [smem:$0x3FB4]  }
0x2d: {  	s3 =	simm.s32 $0x108;
	s8 =	sld [smem:$0x3FB5]  }
0x2e: {  	s3 =	simm.s32 @!p0 $0x1082;
	s9 =	sld [smem:$0x3FB6]  }
0x2f: {  	lr =	sadd.s32 s0, s3;
	s0 =	sld [smem:$0x3FAD]  }
0x30: {  	s3 =	sld [smem:$0x3FB0]  }
0x31: {  	[smem:$0x3FB9] =	sst s10  }
0x32: {  	s10 =	sld [smem:$0x3FB7];
	_ =	sdelay $0x3  }
0x33: {  	p0 =	seq.s32 s10, $0x1;
	s10 =	sld [smem:$0x3FB9];
	_ =	sdelay $0x3  }
0x34: {  	[smem:$0x3FB9] =	sst s10  }
0x35: {  	s10 =	sld [smem:$0x3FB8];
	_ =	sdelay $0x3  }
0x36: {  	p1 =	seq.s32 s10, $0x1;
	s10 =	sld [smem:$0x3FB9];
	_ =	sdelay $0x3  }
0x37: {  	[smem:$0x3FB9] =	sst s10  }
0x38: {  	s10 =	sld [smem:$0x3FBA]  }
0x39: {  	_ = 	snop;
	(pc) =	sbr.ind lr, $3  }
0x3a: {  	_ = 	snop  }
0x3b: {  	_ = 	snop  }
0x3c: {  	p2 =	seq.s32 s10, $0x1;
	s10 =	sld [smem:$0x3FB9]  }
0x3d: {  	_ =	shalt  }
0x3e: {  	_ =	shalt  }
0x3f: {  	_ =	shalt  }
0x40: {  	_ =	shalt  }
0x41: {  	_ =	shalt  }
0x42: {  	_ =	shalt  }
0x43: {  	_ =	shalt  }
0x44: {  	_ =	shalt  }
0x45: {  	_ =	shalt  }
0x46: {  	_ =	shalt  }
0x47: {  	_ =	shalt  }
0x48: {  	_ =	shalt  }
0x49: {  	_ =	shalt  }
0x4a: {  	_ =	shalt  }
0x4b: {  	_ =	shalt  }
0x4c: {  	_ =	shalt  }
0x4d: {  	_ =	shalt  }
0x4e: {  	_ =	shalt  }
0x4f: {  	_ =	shalt  }
0x50: {  	_ =	shalt  }
0x51: {  	_ =	shalt  }
0x52: {  	_ =	shalt  }
0x53: {  	_ =	shalt  }
0x54: {  	_ =	shalt  }
0x55: {  	_ =	shalt  }
0x56: {  	_ =	shalt  }
0x57: {  	_ =	shalt  }
0x58: {  	_ =	shalt  }
0x59: {  	_ =	shalt  }
0x5a: {  	_ =	shalt  }
0x5b: {  	_ =	shalt  }
0x5c: {  	_ =	shalt  }
0x5d: {  	_ =	shalt  }
0x5e: {  	_ =	shalt  }
0x5f: {  	_ =	shalt  }
0x60: {  	_ =	shalt  }
0x61: {  	_ =	shalt  }
0x62: {  	_ =	shalt  }
0x63: {  	_ =	shalt  }
0x64: {  	_ =	shalt  }
0x65: {  	_ =	shalt  }
0x66: {  	_ =	shalt  }
0x67: {  	_ =	shalt  }
0x68: {  	_ =	shalt  }
0x69: {  	_ =	shalt  }
0x6a: {  	_ =	shalt  }
0x6b: {  	_ =	shalt  }
0x6c: {  	_ =	shalt  }
0x6d: {  	_ =	shalt  }
0x6e: {  	_ =	shalt  }
0x6f: {  	_ =	shalt  }
0x70: {  	_ =	shalt  }
0x71: {  	_ =	shalt  }
0x72: {  	_ =	shalt  }
0x73: {  	_ =	shalt  }
0x74: {  	_ =	shalt  }
0x75: {  	_ =	shalt  }
0x76: {  	_ =	shalt  }
0x77: {  	_ =	shalt  }
0x78: {  	_ =	shalt  }
0x79: {  	_ =	shalt  }
0x7a: {  	_ =	shalt  }
0x7b: {  	_ =	shalt  }
0x7c: {  	_ =	shalt  }
0x7d: {  	_ =	shalt  }
0x7e: {  	_ =	shalt  }
0x7f: {  	_ =	shalt  }
0x80: {  	_ =	shalt  }
0x81: {  	_ =	shalt  }
0x82: {  	_ =	shalt  }
0x83: {  	_ =	shalt  }
0x84: {  	_ =	shalt  }
0x85: {  	_ =	shalt  }
0x86: {  	_ =	shalt  }
0x87: {  	_ =	shalt  }
.Lfunc_end0:
.L_simem_size_0:
called_computation_lowered:
.L_overlay_start_0:
0x88: {  	s2 =	sld [smem:$0x3FD9]  }
0x89: {  	s3 =	sld [smem:$0x3FFE];
	_ =	sdelay $0x1  }
0x8a: {  	s1 =	srdreg.scid  }
0x8b: {  	s0 =	sand.u32 $0x1, s1  }
0x8c: {  	s17 =	sshll.u32 s0, $0xA;
	s2 =	sadd.s32 s3, s2  }
0x8d: {  	s2 =	sadd.s32 s2, s17  }
0x8e: {  	[smem:$0x3FC5] =	sst s2  }
0x8f: {  	_ = 	snop  }
0x90: {  	s2 =	sld [smem:$0x3FC8]  }
0x91: {  	s18 =	sld [smem:$0x3FD0];
	(tm) =	ssettm $0x1  }
0x92: {  	s4 =	sld [smem:$0x3FFB];
	_ =	sdelay $0x3  }
0x93: {  	_ =	strace s4  }
0x94: {  	s4 =	sld [smem:$0x3FFC];
	_ =	sdelay $0x3  }
0x95: {  	_ =	strace s4  }
0x96: {  	s4 =	sld [smem:$0x3FFD];
	_ =	sdelay $0x3  }
0x97: {  	_ =	strace s4  }
0x98: {  	_ =	strace $0x8FFFFFFF  }
0x99: {  	s19 =	sld [smem:$0x3FDB];
	_ =	sdelay $0x1  }
0x9a: {  	s5 =	simm.s32 $_scs_section_size  }
0x9b: {  	s6 =	simm.s32 $_size__tile_overlayer_lowered;
	s7 =	simm.s32 $_tile_overlayer_lowered  }
0x9c: {  	s22 =	simm.s32 $0x1BFF;
	s21 =	sshll.u32 s7, $0x1;
	s4 =	sadd.s32 s5, s19  }
0x9d: {  	s8 =	simm.s32 $0x0;
	s20 =	sshll.u32 s6, $0x1;
	s6 =	sadd.s32 s21, s4  }
0x9e: {  	[timem:s8], [sflag:s22] =	dma.local [hbm:s6], s20  }
0x9f: {  	_ =	swait.ge [sflag:s22], s20  }
0xa0: {  	s5 =	ssub.s32 $0x0, s20;
	[sflag:s22] =	ssyncset.done $0x0  }
0xa1: {  	[sflag:s22] =	ssyncadd.s32 s5;
	_ =	sdelay $0x1  }
0xa2: {  	s23 =	simm.s32 $0x1B8B  }
0xa3: {  	_ =	swait.ge [sflag:s23], $0x1  }
0xa4: {  	[sflag:s23] =	ssyncset.done $0x0  }
0xa5: {  	s25 =	simm.s32 $0x1B8E;
	s24 =	sld [smem:$0x3FFE];
	[sflag:s23] =	ssyncadd.s32 $0xFFFFFFFF  }
0xa6: {  	s26 =	simm.s32 $execute0_lowered;
	[smem:$0x3FD2] =	sst s25  }
0xa7: {  	s6 =	sshll.u32 s26, $0x1;
	_ =	strace $0x80000046;
	[dreg:$0x1] =	wrdreg $0xFFFFFFFF  }
0xa8: {  	s28 =	simm.s32 $_size_execute0_lowered;
	s4 =	sadd.s32 s4, s6;
	[dreg:$0x0] =	wrdreg $0x0  }
0xa9: {  	s6 =	sshll.u32 s28, $0x1;
	[dreg:$0x2] =	wrdreg s4  }
0xaa: {  	[dreg:$0x3] =	wrdreg s6  }
0xab: {  	[dreg:$0x4] =	wrdreg $0xC0  }
0xac: {  	_ =	task [dreg:s8], $0x5FFFF  }
0xad: {  	[dreg:$0x1] =	wrdreg $0xFFFFFFFF  }
0xae: {  	[dreg:$0x0] =	wrdreg $0x60  }
0xaf: {  	[dreg:$0x2] =	wrdreg s24  }
0xb0: {  	[dreg:$0x3] =	wrdreg s2  }
0xb1: {  	[dreg:$0x4] =	wrdreg s18  }
0xb2: {  	[dreg:$0x5] =	wrdreg $0x9  }
0xb3: {  	_ =	task.clear_ibuf [dreg:s8], $0x6FFFF;
	_ =	strace $0x90000046  }
0xb4: {  	s29 =	simm.s32 $0x9;
	_ =	strace $0x80000048  }
0xb5: {  	_ =	swait.ge [sflag:s29], $0x1  }
0xb6: {  	[sflag:s29] =	ssyncadd.s32 $0xFFFFFFFF  }
0xb7: {  	_ =	strace $0x90000048  }
0xb8: {  	_ =	sfence  }
0xb9: {  	s30 =	sld [smem:$0x0];
	_ =	sdelay $0x2  }
0xba: {  	s31 =	sshll.u32 s1, $0xD;
	s1 =	sshrl.u32 s1, $0x2  }
0xbb: {  	s3 =	sand.u32 $0x4000, s31;
	s1 =	sadd.s32 s1, s30  }
0xbc: {  	s0 =	sor.u32 s3, s0;
	s1 =	sshll.u32 s1, $0x11  }
0xbd: {  	s0 =	sor.u32 s1, s0  }
0xbe: {  	s0 =	sadd.s32 $0x8F2B, s0  }
0xbf: {  	[sflag:s0] =	ssyncadd.remote.s32 $0x1  }
0xc0: {  	_ =	sfence.sel $0xFFFF  }
0xc1: {  	[dreg:$0x0] =	wrdreg $0xFFFFFFFF;
	(pc) =	sbr.abs _section_cstart, $3  }
0xc2: {  	[dreg:$0x1] =	wrdreg $0xFFFFFFFF  }
0xc3: {  	_ =	task.clear_ibuf [dreg:s8], $0x2FFFF;
	_ =	strace $0x9FFFFFFF  }
0xc4: {  	(tm) =	ssettm $0x7FFFFFFF  }
0xc5: {  	_ =	shalt  }
tec
execute0_lowered:
.L_overlay_start_1:
0x0: {  	(tag) =	ssettag $0x1  }
0x1: {  	s0 =	rddreg [dreg:$0x0]  }
0x2: {  	s1 =	rddreg [dreg:$0x1]  }
0x3: {  	s2 =	rddreg [dreg:$0x2];
	s3 =	simm.s32 $0x0  }
0x4: {  	s4 =	srdreg.scid;
	s8 =	stileid.u32;
	s29 =	simm.s32 $0xB000  }
0x5: {  	s30 =	simm.s32 $0xC000;
	s17 =	simm.s32 $0x2;
	s16 =	simm.s32 $0x4  }
0x6: {  	[smem:$0x7FF] =	sst s3;
	s5 =	sadd.s32 $0x60800, s0;
	s6 =	sadd.s32 $0x30800, s0  }
0x7: {  	s4 =	sand.u32 $0x1, s4;
	s7 =	sshll.u32 s8, $0x1;
	s8 =	sshrl.u32 s8, $0x1  }
0x8: {  	s18 =	sadd.s32 $0x68800, s0;
	_ =	strace $0x80000047;
	s9 =	ssub.s32 $0x2, s4  }
0x9: {  	s10 =	sand.u32 $0x2, s7;
	s7 =	smul.u32 $0xC0000, s8;
	s11 =	sshrl.u32 s9, $0x1  }
0xa: {  	s8 =	sadd.s32 $0x800, s0;
	s4 =	sor.u32 s4, s10;
	s9 =	ssub.s32 s9, s11  }
0xb: {  	s12 =	scvt.s32.f32 s7;
	s15 =	sshll.u32 s4, $0x10;
	s10 =	sadd.s32 $0x40000, s7  }
0xc: {  	s11 =	sadd.s32 $0x80000, s7;
	s4 =	sor.u32 s7, s15;
	s13 =	sor.u32 s10, s15  }
0xd: {  	s14 =	sor.u32 s11, s15;
	s22 =	sor.u32 $0x1000, s15;
	s26 =	sor.u32 $0x2000, s15  }
0xe: {  	[dreg:$0x4] =	wrdreg s15;
	s28 =	sor.u32 $0x3000, s15;
	s31 =	smax.u32 s9, $0x1  }
0xf: {  	s9 =	simm.s32 $0x0;
	s4 =	sshrl.u32 s4, $0x3;
	[dreg:$0xb] =	wrdreg s26  }
0x10: {  	s19 =	sshrl.u32 s13, $0x3;
	s20 =	sshrl.u32 s14, $0x3;
	[dreg:$0xc] =	wrdreg s28  }
0x11: {  	s23 =	sor.u32 s7, s22;
	s24 =	sor.u32 s10, s22;
	[dreg:$0xd] =	wrdreg s31  }
0x12: {  	s26 =	simm.s32 $0x200;
	v0 =	vmov s12;
	s12 =	simm.s32 $0x3;
	s4 =	sadd.s32 s1, s4  }
0x13: {  	s21 =	sadd.s32 s1, s20;
	s13 =	sshrl.u32 s23, $0x3;
	s14 =	sshrl.u32 s24, $0x3  }
0x14: {  	s23 =	simm.s32 $0x5;
	s20 =	simm.s32 $0xEE00;
	[dreg:$0x5] =	wrdreg s4  }
.Ltmp0:
0x15: {  	s4 =	sadd.s32 s1, s19;
	[dreg:$0x7] =	wrdreg s21;
	(pc) =	sbr.rel .LBB2_1-.Ltmp0, $4  }
0x16: {  	s13 =	sadd.s32 s1, s13;
	[dreg:$0x6] =	wrdreg s4;
	s4 =	sor.u32 s11, s22  }
0x17: {  	s25 =	sadd.s32 s1, s14;
	[dreg:$0x8] =	wrdreg s13;
	s4 =	sshrl.u32 s4, $0x3  }
0x18: {  	s19 =	sadd.s32 $0x70800, s0;
	[dreg:$0x9] =	wrdreg s25;
	s4 =	sadd.s32 s1, s4  }
0x19: {  	v1 =	vimm.f32 $0.0e+00;
	s0 =	simm.s32 $0x1;
	s13 =	simm.s32 $0xEC00;
	[dreg:$0xa] =	wrdreg s4  }
.LBB2_22:
0x1a: {  	s9 =	rddreg [dreg:$0xe]  }
0x1b: {  	s4 =	rddreg [dreg:$0xd];
	s9 =	sadd.s32 $0x1, s9  }
0x1c: {  	p0 =	sne.s32 s9, s4  }
.Ltmp1:
0x1d: {  	_ = 	snop;
	(pc) =	sbr.rel @!p0 .LBB2_23-.Ltmp1, $1  }
0x1e: {  	_ =	sdelay $0x3  }
.LBB2_1:
0x1f: {  	[dreg:$0xe] =	wrdreg s9  }
0x20: {  	s4 =	rddreg [dreg:$0x5]  }
0x21: {  	[tilespmem:s3], [sflag:$0x5] =	stream.linear.gather [hbm4b:s4+s3], $0x1000, $0x38;
	[tilespmem:$0x13000] =	vst v63  }
0x22: {  	_ =	swait.ge [sflag:s23], $0x1000  }
0x23: {  	[sflag:s23] =	ssyncset.done $0x0  }
0x24: {  	s25 =	simm.s32 $0x1000;
	s24 =	rddreg [dreg:$0x6];
	[sflag:s23] =	ssyncadd.s32 $0xFFFFF000  }
0x25: {  	[tilespmem:s25], [sflag:$0x5] =	stream.linear.gather [hbm4b:s24+s3], $0x1000, $0x38;
	[tilespmem:$0x13000] =	vst v63  }
0x26: {  	_ =	swait.ge [sflag:s23], $0x1000  }
0x27: {  	[sflag:s23] =	ssyncset.done $0x0  }
0x28: {  	s31 =	simm.s32 $0x2000;
	s28 =	rddreg [dreg:$0x7];
	[sflag:s23] =	ssyncadd.s32 $0xFFFFF000  }
0x29: {  	[tilespmem:s31], [sflag:$0x5] =	stream.linear.gather [hbm4b:s28+s3], $0x1000, $0x38;
	[tilespmem:$0x13000] =	vst v63  }
0x2a: {  	_ =	swait.ge [sflag:s23], $0x1000  }
0x2b: {  	[sflag:s23] =	ssyncset.done $0x0  }
0x2c: {  	s21 =	simm.s32 $0x0;
	[sflag:s23] =	ssyncadd.s32 $0xFFFFF000  }
0x2d: {  	v3 =	vld [tilespmem:s21+$0x0];
	_ =	sdelay $0x1  }
0x2e: {  	v4 =	vld [tilespmem:s21+$0x2000]  }
0x2f: {  	v2 =	vld [tilespmem:s21+$0x1000]  }
0x30: {  	s9 =	simm.s32 $0x40  }
.LBB2_2:
0x31: {  	s22 =	sshra.s32 s9, $0x2;
	p0 =	sne.s32 s9, $0x3FC0;
	s9 =	sadd.s32 $0x40, s9;
	vm0 =	vgt.s32 v3, $0x0;
	vm1 =	vgt.s32 v3, $0x1  }
.Ltmp2:
0x32: {  	v5 =	vnsel vm1, $0x1, v3;
	v3 =	vld [tilespmem:s22+$0x0];
	v6 =	vsel vm0, $0x3F800000, v1;
	(pc) =	sbr.rel @p0 .LBB2_2-.Ltmp2, $4  }
0x33: {  	v5 =	vshll.u32 v5, $0x10;
	v7 =	vshll.u32 v4, $0x8;
	[tilespmem:s21+$0x7000] =	vst v6  }
0x34: {  	v4 =	vld [tilespmem:s22+$0x2000];
	v5 =	vadd.s32 $0xFFFF0000, v5;
	v6 =	vor.u32 v2, v7  }
0x35: {  	v2 =	vld [tilespmem:s22+$0x1000];
	v5 =	vor.u32 v5, v6  }
0x36: {  	[tilespmem:s21+$0x3000] =	vst v5;
	s21 =	smov.u32 s22  }
0x37: {  	vm0 =	vgt.s32 v3, $0x1  }
0x38: {  	v5 =	vnsel vm0, $0x1, v3  }
0x39: {  	vm15 =	vgt.s32 v3, $0x0;
	v3 =	vshll.u32 v5, $0x10;
	v4 =	vshll.u32 v4, $0x8  }
0x3a: {  	v5 =	vsel vm15, $0x3F800000, v1;
	v3 =	vadd.s32 $0xFFFF0000, v3;
	v2 =	vor.u32 v2, v4  }
0x3b: {  	[tilespmem:s21+$0x7000] =	vst v5;
	v2 =	vor.u32 v3, v2  }
0x3c: {  	s4 =	simm.s32 $0x3000;
	s9 =	simm.s32 $0x4000;
	[tilespmem:s21+$0x3000] =	vst v2  }
0x3d: {  	[tilespmem:s9], [sflag:$0x1] =	stream.indirect.gather [hbm4b:s6+s26], $0x1, s4, s26, $0xb8;
	[tilespmem:$0x13000] =	vst v63  }
0x3e: {  	s25 =	simm.s32 $0x4200;
	s9 =	simm.s32 $0x3200  }
0x3f: {  	[tilespmem:s25], [sflag:$0x1] =	stream.indirect.gather [hbm4b:s6+s26], $0x1, s9, s26, $0xb8;
	[tilespmem:$0x13000] =	vst v63  }
0x40: {  	s22 =	simm.s32 $0x4400;
	s21 =	simm.s32 $0x3400  }
0x41: {  	[tilespmem:s22], [sflag:$0x1] =	stream.indirect.gather [hbm4b:s6+s26], $0x1, s21, s26, $0xb8;
	[tilespmem:$0x13000] =	vst v63  }
0x42: {  	s24 =	simm.s32 $0x4600;
	s22 =	simm.s32 $0x3600  }
0x43: {  	[tilespmem:s24], [sflag:$0x1] =	stream.indirect.gather [hbm4b:s6+s26], $0x1, s22, s26, $0xb8;
	[tilespmem:$0x13000] =	vst v63  }
0x44: {  	s15 =	simm.s32 $0x3800;
	s28 =	simm.s32 $0x4800  }
0x45: {  	[tilespmem:s28], [sflag:$0x1] =	stream.indirect.gather [hbm4b:s6+s26], $0x1, s15, s26, $0xb8;
	[tilespmem:$0x13000] =	vst v63  }
0x46: {  	s25 =	simm.s32 $0x4A00;
	s24 =	simm.s32 $0x3A00  }
0x47: {  	[tilespmem:s25], [sflag:$0x1] =	stream.indirect.gather [hbm4b:s6+s26], $0x1, s24, s26, $0xb8;
	[tilespmem:$0x13000] =	vst v63  }
0x48: {  	s28 =	simm.s32 $0x4C00;
	s25 =	simm.s32 $0x3C00  }
0x49: {  	[tilespmem:s28], [sflag:$0x1] =	stream.indirect.gather [hbm4b:s6+s26], $0x1, s25, s26, $0xb8;
	[tilespmem:$0x13000] =	vst v63  }
0x4a: {  	s14 =	simm.s32 $0x3E00;
	s31 =	simm.s32 $0x4E00  }
0x4b: {  	[tilespmem:s31], [sflag:$0x1] =	stream.indirect.gather [hbm4b:s6+s26], $0x1, s14, s26, $0xb8;
	[tilespmem:$0x13000] =	vst v63  }
0x4c: {  	s31 =	simm.s32 $0x5000  }
0x4d: {  	[tilespmem:s31], [sflag:$0x1] =	stream.indirect.gather [hbm4b:s8+s26], $0x1, s4, s26, $0xb8;
	[tilespmem:$0x13000] =	vst v63  }
0x4e: {  	s31 =	simm.s32 $0x5200  }
0x4f: {  	[tilespmem:s31], [sflag:$0x1] =	stream.indirect.gather [hbm4b:s8+s26], $0x1, s9, s26, $0xb8;
	[tilespmem:$0x13000] =	vst v63  }
0x50: {  	s9 =	simm.s32 $0x5400  }
0x51: {  	[tilespmem:s9], [sflag:$0x1] =	stream.indirect.gather [hbm4b:s8+s26], $0x1, s21, s26, $0xb8;
	[tilespmem:$0x13000] =	vst v63  }
0x52: {  	s21 =	simm.s32 $0x5600  }
0x53: {  	[tilespmem:s21], [sflag:$0x1] =	stream.indirect.gather [hbm4b:s8+s26], $0x1, s22, s26, $0xb8;
	[tilespmem:$0x13000] =	vst v63  }
0x54: {  	s22 =	simm.s32 $0x5800  }
0x55: {  	[tilespmem:s22], [sflag:$0x1] =	stream.indirect.gather [hbm4b:s8+s26], $0x1, s15, s26, $0xb8;
	[tilespmem:$0x13000] =	vst v63  }
0x56: {  	s28 =	simm.s32 $0x5A00  }
0x57: {  	[tilespmem:s28], [sflag:$0x1] =	stream.indirect.gather [hbm4b:s8+s26], $0x1, s24, s26, $0xb8;
	[tilespmem:$0x13000] =	vst v63  }
0x58: {  	s31 =	simm.s32 $0x5C00  }
0x59: {  	[tilespmem:s31], [sflag:$0x1] =	stream.indirect.gather [hbm4b:s8+s26], $0x1, s25, s26, $0xb8;
	[tilespmem:$0x13000] =	vst v63  }
0x5a: {  	s9 =	simm.s32 $0x5E00  }
0x5b: {  	[tilespmem:s9], [sflag:$0x1] =	stream.indirect.gather [hbm4b:s8+s26], $0x1, s14, s26, $0xb8;
	[tilespmem:$0x13000] =	vst v63  }
0x5c: {  	s15 =	simm.s32 $0x0;
	s22 =	rddreg [dreg:$0x8]  }
0x5d: {  	[tilespmem:s15], [sflag:$0x5] =	stream.linear.gather [hbm4b:s22+s15], $0x1000, $0x38;
	[tilespmem:$0x13000] =	vst v63  }
0x5e: {  	_ =	swait.ge [sflag:s23], $0x1000  }
0x5f: {  	[sflag:s23] =	ssyncset.done $0x0  }
0x60: {  	s25 =	simm.s32 $0x1000;
	s24 =	rddreg [dreg:$0x9];
	[sflag:s23] =	ssyncadd.s32 $0xFFFFF000  }
0x61: {  	[tilespmem:s25], [sflag:$0x5] =	stream.linear.gather [hbm4b:s24+s15], $0x1000, $0x38;
	[tilespmem:$0x13000] =	vst v63  }
0x62: {  	_ =	swait.ge [sflag:s23], $0x1000  }
0x63: {  	[sflag:s23] =	ssyncset.done $0x0  }
0x64: {  	s31 =	simm.s32 $0x2000;
	s28 =	rddreg [dreg:$0xa];
	[sflag:s23] =	ssyncadd.s32 $0xFFFFF000  }
0x65: {  	[tilespmem:s31], [sflag:$0x5] =	stream.linear.gather [hbm4b:s28+s15], $0x1000, $0x38;
	[tilespmem:$0x13000] =	vst v63  }
0x66: {  	_ =	swait.ge [sflag:s23], $0x1000  }
0x67: {  	[sflag:s23] =	ssyncset.done $0x0  }
0x68: {  	s21 =	simm.s32 $0x0;
	[sflag:s23] =	ssyncadd.s32 $0xFFFFF000  }
0x69: {  	v3 =	vld [tilespmem:s21+$0x0];
	_ =	sdelay $0x1  }
0x6a: {  	v4 =	vld [tilespmem:s21+$0x2000]  }
0x6b: {  	v2 =	vld [tilespmem:s21+$0x1000]  }
0x6c: {  	s9 =	simm.s32 $0x40  }
.LBB2_4:
0x6d: {  	s22 =	sshra.s32 s9, $0x2;
	p0 =	sne.s32 s9, $0x3FC0;
	s9 =	sadd.s32 $0x40, s9;
	vm0 =	vgt.s32 v3, $0x0;
	vm1 =	vgt.s32 v3, $0x1  }
.Ltmp3:
0x6e: {  	v5 =	vnsel vm1, $0x1, v3;
	v3 =	vld [tilespmem:s22+$0x0];
	v6 =	vsel vm0, $0x3F800000, v1;
	(pc) =	sbr.rel @p0 .LBB2_4-.Ltmp3, $4  }
0x6f: {  	v5 =	vshll.u32 v5, $0x10;
	v7 =	vshll.u32 v4, $0x8;
	[tilespmem:s21+$0xF000] =	vst v6  }
0x70: {  	v4 =	vld [tilespmem:s22+$0x2000];
	v5 =	vadd.s32 $0xFFFF0000, v5;
	v6 =	vor.u32 v2, v7  }
0x71: {  	v2 =	vld [tilespmem:s22+$0x1000];
	v5 =	vor.u32 v5, v6  }
0x72: {  	[tilespmem:s21+$0xB000] =	vst v5;
	s21 =	smov.u32 s22  }
0x73: {  	vm0 =	vgt.s32 v3, $0x1  }
0x74: {  	v5 =	vnsel vm0, $0x1, v3  }
0x75: {  	vm15 =	vgt.s32 v3, $0x0;
	v3 =	vshll.u32 v5, $0x10;
	v4 =	vshll.u32 v4, $0x8  }
0x76: {  	v63 =	vsel vm15, $0x3F800000, v1;
	v3 =	vadd.s32 $0xFFFF0000, v3;
	v2 =	vor.u32 v2, v4  }
0x77: {  	[tilespmem:s21+$0xF000] =	vst v63;
	v2 =	vor.u32 v3, v2  }
0x78: {  	[tilespmem:s21+$0xB000] =	vst v2  }
0x79: {  	[tilespmem:s30], [sflag:$0x2] =	stream.indirect.gather [hbm4b:s6+s26], $0x1, s29, s26, $0xb8;
	[tilespmem:$0x13000] =	vst v63  }
0x7a: {  	s4 =	simm.s32 $0xB200;
	s9 =	simm.s32 $0xC200  }
0x7b: {  	[tilespmem:s9], [sflag:$0x2] =	stream.indirect.gather [hbm4b:s6+s26], $0x1, s4, s26, $0xb8;
	[tilespmem:$0x13000] =	vst v63  }
0x7c: {  	s14 =	simm.s32 $0xC400;
	s9 =	simm.s32 $0xB400  }
0x7d: {  	[tilespmem:s14], [sflag:$0x2] =	stream.indirect.gather [hbm4b:s6+s26], $0x1, s9, s26, $0xb8;
	[tilespmem:$0x13000] =	vst v63  }
0x7e: {  	s15 =	simm.s32 $0xC600;
	s14 =	simm.s32 $0xB600  }
0x7f: {  	[tilespmem:s15], [sflag:$0x2] =	stream.indirect.gather [hbm4b:s6+s26], $0x1, s14, s26, $0xb8;
	[tilespmem:$0x13000] =	vst v63  }
0x80: {  	s28 =	simm.s32 $0xC800;
	s15 =	simm.s32 $0xB800  }
0x81: {  	[tilespmem:s28], [sflag:$0x2] =	stream.indirect.gather [hbm4b:s6+s26], $0x1, s15, s26, $0xb8;
	[tilespmem:$0x13000] =	vst v63  }
0x82: {  	s22 =	simm.s32 $0xCA00;
	s21 =	simm.s32 $0xBA00  }
0x83: {  	[tilespmem:s22], [sflag:$0x2] =	stream.indirect.gather [hbm4b:s6+s26], $0x1, s21, s26, $0xb8;
	[tilespmem:$0x13000] =	vst v63  }
0x84: {  	s24 =	simm.s32 $0xCC00;
	s22 =	simm.s32 $0xBC00  }
0x85: {  	[tilespmem:s24], [sflag:$0x2] =	stream.indirect.gather [hbm4b:s6+s26], $0x1, s22, s26, $0xb8;
	[tilespmem:$0x13000] =	vst v63  }
0x86: {  	s25 =	simm.s32 $0xCE00;
	s24 =	simm.s32 $0xBE00  }
0x87: {  	[tilespmem:s25], [sflag:$0x2] =	stream.indirect.gather [hbm4b:s6+s26], $0x1, s24, s26, $0xb8;
	[tilespmem:$0x13000] =	vst v63  }
0x88: {  	s31 =	simm.s32 $0xD000  }
0x89: {  	[tilespmem:s31], [sflag:$0x2] =	stream.indirect.gather [hbm4b:s8+s26], $0x1, s29, s26, $0xb8;
	[tilespmem:$0x13000] =	vst v63  }
0x8a: {  	s28 =	simm.s32 $0xD200  }
0x8b: {  	[tilespmem:s28], [sflag:$0x2] =	stream.indirect.gather [hbm4b:s8+s26], $0x1, s4, s26, $0xb8;
	[tilespmem:$0x13000] =	vst v63  }
0x8c: {  	s31 =	simm.s32 $0xD400  }
0x8d: {  	[tilespmem:s31], [sflag:$0x2] =	stream.indirect.gather [hbm4b:s8+s26], $0x1, s9, s26, $0xb8;
	[tilespmem:$0x13000] =	vst v63  }
0x8e: {  	s9 =	simm.s32 $0xD600  }
0x8f: {  	[tilespmem:s9], [sflag:$0x2] =	stream.indirect.gather [hbm4b:s8+s26], $0x1, s14, s26, $0xb8;
	[tilespmem:$0x13000] =	vst v63  }
0x90: {  	s14 =	simm.s32 $0xD800  }
0x91: {  	[tilespmem:s14], [sflag:$0x2] =	stream.indirect.gather [hbm4b:s8+s26], $0x1, s15, s26, $0xb8;
	[tilespmem:$0x13000] =	vst v63  }
0x92: {  	s25 =	simm.s32 $0xDA00  }
0x93: {  	[tilespmem:s25], [sflag:$0x2] =	stream.indirect.gather [hbm4b:s8+s26], $0x1, s21, s26, $0xb8;
	[tilespmem:$0x13000] =	vst v63  }
0x94: {  	s28 =	simm.s32 $0xDC00  }
0x95: {  	[tilespmem:s28], [sflag:$0x2] =	stream.indirect.gather [hbm4b:s8+s26], $0x1, s22, s26, $0xb8;
	[tilespmem:$0x13000] =	vst v63  }
0x96: {  	s31 =	simm.s32 $0xDE00;
	s22 =	simm.s32 $0x0  }
0x97: {  	[tilespmem:s31], [sflag:$0x2] =	stream.indirect.gather [hbm4b:s8+s26], $0x1, s24, s26, $0xb8;
	[tilespmem:$0x13000] =	vst v63  }
.LBB2_6:
0x98: {  	_ =	swait.ge [sflag:s0], $0x200  }
0x99: {  	[sflag:s0] =	ssyncset.done $0x0  }
0x9a: {  	[sflag:s0] =	ssyncadd.s32 $0xFFFFFE00  }
0x9b: {  	_ =	swait.ge [sflag:s0], $0x200  }
0x9c: {  	[sflag:s0] =	ssyncset.done $0x0  }
0x9d: {  	[sflag:s0] =	ssyncadd.s32 $0xFFFFFE00  }
0x9e: {  	_ =	swait.ge [sflag:s0], $0x200  }
0x9f: {  	[sflag:s0] =	ssyncset.done $0x0  }
0xa0: {  	[sflag:s0] =	ssyncadd.s32 $0xFFFFFE00  }
0xa1: {  	_ =	swait.ge [sflag:s0], $0x200  }
0xa2: {  	[sflag:s0] =	ssyncset.done $0x0  }
0xa3: {  	[sflag:s0] =	ssyncadd.s32 $0xFFFFFE00  }
0xa4: {  	_ =	swait.ge [sflag:s0], $0x200  }
0xa5: {  	[sflag:s0] =	ssyncset.done $0x0  }
0xa6: {  	[sflag:s0] =	ssyncadd.s32 $0xFFFFFE00  }
0xa7: {  	_ =	swait.ge [sflag:s0], $0x200  }
0xa8: {  	[sflag:s0] =	ssyncset.done $0x0  }
0xa9: {  	[sflag:s0] =	ssyncadd.s32 $0xFFFFFE00  }
0xaa: {  	_ =	swait.ge [sflag:s0], $0x200  }
0xab: {  	[sflag:s0] =	ssyncset.done $0x0  }
0xac: {  	[sflag:s0] =	ssyncadd.s32 $0xFFFFFE00  }
0xad: {  	_ =	swait.ge [sflag:s0], $0x200  }
0xae: {  	[sflag:s0] =	ssyncset.done $0x0  }
0xaf: {  	[sflag:s0] =	ssyncadd.s32 $0xFFFFFE00  }
0xb0: {  	_ =	swait.ge [sflag:s0], $0x200  }
0xb1: {  	[sflag:s0] =	ssyncset.done $0x0  }
0xb2: {  	[sflag:s0] =	ssyncadd.s32 $0xFFFFFE00  }
0xb3: {  	_ =	swait.ge [sflag:s0], $0x200  }
0xb4: {  	[sflag:s0] =	ssyncset.done $0x0  }
0xb5: {  	[sflag:s0] =	ssyncadd.s32 $0xFFFFFE00  }
0xb6: {  	_ =	swait.ge [sflag:s0], $0x200  }
0xb7: {  	[sflag:s0] =	ssyncset.done $0x0  }
0xb8: {  	[sflag:s0] =	ssyncadd.s32 $0xFFFFFE00  }
0xb9: {  	_ =	swait.ge [sflag:s0], $0x200  }
0xba: {  	[sflag:s0] =	ssyncset.done $0x0  }
0xbb: {  	[sflag:s0] =	ssyncadd.s32 $0xFFFFFE00  }
0xbc: {  	_ =	swait.ge [sflag:s0], $0x200  }
0xbd: {  	[sflag:s0] =	ssyncset.done $0x0  }
0xbe: {  	[sflag:s0] =	ssyncadd.s32 $0xFFFFFE00  }
0xbf: {  	_ =	swait.ge [sflag:s0], $0x200  }
0xc0: {  	[sflag:s0] =	ssyncset.done $0x0  }
0xc1: {  	[sflag:s0] =	ssyncadd.s32 $0xFFFFFE00  }
0xc2: {  	_ =	swait.ge [sflag:s0], $0x200  }
0xc3: {  	[sflag:s0] =	ssyncset.done $0x0  }
0xc4: {  	[sflag:s0] =	ssyncadd.s32 $0xFFFFFE00  }
0xc5: {  	_ =	swait.ge [sflag:s0], $0x200  }
0xc6: {  	[sflag:s0] =	ssyncset.done $0x0  }
0xc7: {  	s24 =	simm.s32 $0x0;
	[sflag:s0] =	ssyncadd.s32 $0xFFFFFE00  }
0xc8: {  	v2 =	vld [tilespmem:s24+$0x5000];
	_ =	sdelay $0x3  }
0xc9: {  	s31 =	simm.s32 $0x10;
	v3 =	vld [tilespmem:s24+$0x4000]  }
0xca: {  	v4 =	vld [tilespmem:s31+$0x5000];
	v2 =	vsub.f32 $1.000000000e+00, v2;
	_ =	sdelay $0x1  }
0xcb: {  	v2 =	vmul.f32 $5.110000000e+02, v2;
	_ =	sdelay $0x1  }
0xcc: {  	s25 =	simm.s32 $0x20;
	v5 =	vld [tilespmem:s31+$0x4000];
	v3 =	vmul.f32 $5.110000000e+02, v3;
	v2 =	vadd.f32 $1.258291200e+07, v2  }
0xcd: {  	v6 =	vld [tilespmem:s25+$0x5000];
	v4 =	vsub.f32 $1.000000000e+00, v4  }
0xce: {  	v3 =	vadd.f32 $1.258291200e+07, v3;
	v2 =	vadd.f32 $-1.258291200e+07, v2  }
0xcf: {  	v4 =	vmul.f32 $5.110000000e+02, v4  }
0xd0: {  	v3 =	vadd.f32 $-1.258291200e+07, v3;
	v2 =	vmul.f32 $5.120000000e+02, v2  }
0xd1: {  	v7 =	vld [tilespmem:s25+$0x4000];
	v5 =	vmul.f32 $5.110000000e+02, v5;
	v4 =	vadd.f32 $1.258291200e+07, v4  }
0xd2: {  	v2 =	vadd.f32 v2, v3;
	v3 =	vsub.f32 $1.000000000e+00, v6  }
0xd3: {  	s21 =	simm.s32 $0x30;
	v5 =	vadd.f32 $1.258291200e+07, v5;
	v4 =	vadd.f32 $-1.258291200e+07, v4  }
0xd4: {  	v2 =	vadd.f32 v2, v0;
	v6 =	vmul.f32 $5.110000000e+02, v3;
	v3 =	vld [tilespmem:s21+$0x5000]  }
0xd5: {  	v5 =	vadd.f32 $-1.258291200e+07, v5;
	v8 =	vmul.f32 $5.120000000e+02, v4  }
0xd6: {  	v7 =	vmul.f32 $5.110000000e+02, v7;
	v2 =	vtrunc.f32 v2  }
0xd7: {  	s9 =	simm.s32 $0x100;
	v4 =	vld [tilespmem:s21+$0x4000];
	v5 =	vadd.f32 v8, v5;
	v6 =	vadd.f32 $1.258291200e+07, v6;
	v2 =	vcvt.f32.s32 v2  }
.LBB2_7:
0xd8: {  	s4 =	sshra.s32 s9, $0x2  }
0xd9: {  	v8 =	vsub.f32 $1.000000000e+00, v3;
	v7 =	vadd.f32 $1.258291200e+07, v7;
	[tilespmem:s24+$0x6000] =	vst v2;
	s24 =	smov.u32 s31;
	s31 =	smov.u32 s25;
	p0 =	sne.s32 s9, $0x3FC0  }
.Ltmp4:
0xda: {  	s9 =	sadd.s32 $0x40, s9;
	v3 =	vld [tilespmem:s4+$0x5000];
	v2 =	vadd.f32 $-1.258291200e+07, v6;
	v5 =	vadd.f32 v5, v0;
	(pc) =	sbr.rel @p0 .LBB2_7-.Ltmp4, $4  }
0xdb: {  	s25 =	smov.u32 s21;
	s21 =	smov.u32 s4;
	v6 =	vmul.f32 $5.110000000e+02, v8  }
0xdc: {  	v8 =	vadd.f32 $-1.258291200e+07, v7;
	v9 =	vmul.f32 $5.120000000e+02, v2;
	v2 =	vtrunc.f32 v5  }
0xdd: {  	v7 =	vmul.f32 $5.110000000e+02, v4;
	v2 =	vcvt.f32.s32 v2  }
0xde: {  	v6 =	vadd.f32 $1.258291200e+07, v6;
	v4 =	vld [tilespmem:s21+$0x4000];
	v5 =	vadd.f32 v9, v8  }
0xdf: {  	v3 =	vsub.f32 $1.000000000e+00, v3;
	_ =	sdelay $0x1  }
0xe0: {  	v3 =	vmul.f32 $5.110000000e+02, v3;
	_ =	sdelay $0x1  }
0xe1: {  	v4 =	vmul.f32 $5.110000000e+02, v4;
	v3 =	vadd.f32 $1.258291200e+07, v3  }
0xe2: {  	v7 =	vadd.f32 $1.258291200e+07, v7;
	v6 =	vadd.f32 $-1.258291200e+07, v6  }
0xe3: {  	v4 =	vadd.f32 $1.258291200e+07, v4;
	v3 =	vadd.f32 $-1.258291200e+07, v3  }
0xe4: {  	v7 =	vadd.f32 $-1.258291200e+07, v7;
	v6 =	vmul.f32 $5.120000000e+02, v6  }
0xe5: {  	v4 =	vadd.f32 $-1.258291200e+07, v4;
	v3 =	vmul.f32 $5.120000000e+02, v3  }
0xe6: {  	v6 =	vadd.f32 v6, v7  }
0xe7: {  	v5 =	vadd.f32 v5, v0;
	v3 =	vadd.f32 v3, v4  }
0xe8: {  	v4 =	vadd.f32 v6, v0  }
0xe9: {  	v5 =	vtrunc.f32 v5;
	v3 =	vadd.f32 v3, v0  }
0xea: {  	v5 =	vcvt.f32.s32 v5;
	v4 =	vtrunc.f32 v4  }
0xeb: {  	[tilespmem:s24+$0x6000] =	vst v2;
	v2 =	vcvt.f32.s32 v4;
	v3 =	vtrunc.f32 v3  }
0xec: {  	[tilespmem:s31+$0x6000] =	vst v5;
	v3 =	vcvt.f32.s32 v3  }
0xed: {  	[tilespmem:s25+$0x6000] =	vst v2  }
0xee: {  	s4 =	simm.s32 $0x6000;
	s9 =	simm.s32 $0x8000;
	[tilespmem:s21+$0x6000] =	vst v3  }
0xef: {  	[tilespmem:s9], [sflag:$0x3] =	stream.indirect.gather [hbm4b:s5+s26], $0x1, s4, s26, $0xb8;
	[tilespmem:$0x13000] =	vst v63  }
0xf0: {  	s14 =	simm.s32 $0x8200;
	s9 =	simm.s32 $0x6200  }
0xf1: {  	[tilespmem:s14], [sflag:$0x3] =	stream.indirect.gather [hbm4b:s5+s26], $0x1, s9, s26, $0xb8;
	[tilespmem:$0x13000] =	vst v63  }
0xf2: {  	s15 =	simm.s32 $0x8400;
	s14 =	simm.s32 $0x6400  }
0xf3: {  	[tilespmem:s15], [sflag:$0x3] =	stream.indirect.gather [hbm4b:s5+s26], $0x1, s14, s26, $0xb8;
	[tilespmem:$0x13000] =	vst v63  }
0xf4: {  	s24 =	simm.s32 $0x8600;
	s15 =	simm.s32 $0x6600  }
0xf5: {  	[tilespmem:s24], [sflag:$0x3] =	stream.indirect.gather [hbm4b:s5+s26], $0x1, s15, s26, $0xb8;
	[tilespmem:$0x13000] =	vst v63  }
0xf6: {  	s25 =	simm.s32 $0x8800;
	s21 =	simm.s32 $0x6800  }
0xf7: {  	[tilespmem:s25], [sflag:$0x3] =	stream.indirect.gather [hbm4b:s5+s26], $0x1, s21, s26, $0xb8;
	[tilespmem:$0x13000] =	vst v63  }
0xf8: {  	s28 =	simm.s32 $0x8A00;
	s24 =	simm.s32 $0x6A00  }
0xf9: {  	[tilespmem:s28], [sflag:$0x3] =	stream.indirect.gather [hbm4b:s5+s26], $0x1, s24, s26, $0xb8;
	[tilespmem:$0x13000] =	vst v63  }
0xfa: {  	s25 =	simm.s32 $0x6C00;
	s28 =	simm.s32 $0x8C00  }
0xfb: {  	[tilespmem:s28], [sflag:$0x3] =	stream.indirect.gather [hbm4b:s5+s26], $0x1, s25, s26, $0xb8;
	[tilespmem:$0x13000] =	vst v63  }
0xfc: {  	s31 =	simm.s32 $0x8E00;
	s28 =	simm.s32 $0x6E00  }
0xfd: {  	[tilespmem:s31], [sflag:$0x3] =	stream.indirect.gather [hbm4b:s5+s26], $0x1, s28, s26, $0xb8;
	[tilespmem:$0x13000] =	vst v63  }
0xfe: {  	s31 =	simm.s32 $0x9000  }
0xff: {  	[tilespmem:s31], [sflag:$0x3] =	stream.indirect.gather [hbm4b:s18+s26], $0x1, s4, s26, $0xb8;
	[tilespmem:$0x13000] =	vst v63  }
0x100: {  	s31 =	simm.s32 $0x9200  }
0x101: {  	[tilespmem:s31], [sflag:$0x3] =	stream.indirect.gather [hbm4b:s18+s26], $0x1, s9, s26, $0xb8;
	[tilespmem:$0x13000] =	vst v63  }
0x102: {  	s31 =	simm.s32 $0x9400  }
0x103: {  	[tilespmem:s31], [sflag:$0x3] =	stream.indirect.gather [hbm4b:s18+s26], $0x1, s14, s26, $0xb8;
	[tilespmem:$0x13000] =	vst v63  }
0x104: {  	s31 =	simm.s32 $0x9600  }
0x105: {  	[tilespmem:s31], [sflag:$0x3] =	stream.indirect.gather [hbm4b:s18+s26], $0x1, s15, s26, $0xb8;
	[tilespmem:$0x13000] =	vst v63  }
0x106: {  	s31 =	simm.s32 $0x9800  }
0x107: {  	[tilespmem:s31], [sflag:$0x3] =	stream.indirect.gather [hbm4b:s18+s26], $0x1, s21, s26, $0xb8;
	[tilespmem:$0x13000] =	vst v63  }
0x108: {  	s31 =	simm.s32 $0x9A00  }
0x109: {  	[tilespmem:s31], [sflag:$0x3] =	stream.indirect.gather [hbm4b:s18+s26], $0x1, s24, s26, $0xb8;
	[tilespmem:$0x13000] =	vst v63  }
0x10a: {  	s31 =	simm.s32 $0x9C00  }
0x10b: {  	[tilespmem:s31], [sflag:$0x3] =	stream.indirect.gather [hbm4b:s18+s26], $0x1, s25, s26, $0xb8;
	[tilespmem:$0x13000] =	vst v63  }
0x10c: {  	s31 =	simm.s32 $0x9E00  }
0x10d: {  	[tilespmem:s31], [sflag:$0x3] =	stream.indirect.gather [hbm4b:s18+s26], $0x1, s28, s26, $0xb8;
	[tilespmem:$0x13000] =	vst v63  }
0x10e: {  	s31 =	simm.s32 $0xA000  }
0x10f: {  	[tilespmem:s31], [sflag:$0x3] =	stream.indirect.gather [hbm4b:s19+s26], $0x1, s4, s26, $0xb8;
	[tilespmem:$0x13000] =	vst v63  }
0x110: {  	s4 =	simm.s32 $0xA200  }
0x111: {  	[tilespmem:s4], [sflag:$0x3] =	stream.indirect.gather [hbm4b:s19+s26], $0x1, s9, s26, $0xb8;
	[tilespmem:$0x13000] =	vst v63  }
0x112: {  	s9 =	simm.s32 $0xA400  }
0x113: {  	[tilespmem:s9], [sflag:$0x3] =	stream.indirect.gather [hbm4b:s19+s26], $0x1, s14, s26, $0xb8;
	[tilespmem:$0x13000] =	vst v63  }
0x114: {  	s14 =	simm.s32 $0xA600  }
0x115: {  	[tilespmem:s14], [sflag:$0x3] =	stream.indirect.gather [hbm4b:s19+s26], $0x1, s15, s26, $0xb8;
	[tilespmem:$0x13000] =	vst v63  }
0x116: {  	s15 =	simm.s32 $0xA800  }
0x117: {  	[tilespmem:s15], [sflag:$0x3] =	stream.indirect.gather [hbm4b:s19+s26], $0x1, s21, s26, $0xb8;
	[tilespmem:$0x13000] =	vst v63  }
0x118: {  	s21 =	simm.s32 $0xAA00  }
0x119: {  	[tilespmem:s21], [sflag:$0x3] =	stream.indirect.gather [hbm4b:s19+s26], $0x1, s24, s26, $0xb8;
	[tilespmem:$0x13000] =	vst v63  }
0x11a: {  	s24 =	simm.s32 $0xAC00  }
0x11b: {  	[tilespmem:s24], [sflag:$0x3] =	stream.indirect.gather [hbm4b:s19+s26], $0x1, s25, s26, $0xb8;
	[tilespmem:$0x13000] =	vst v63  }
0x11c: {  	s25 =	simm.s32 $0xAE00  }
0x11d: {  	[tilespmem:s25], [sflag:$0x3] =	stream.indirect.gather [hbm4b:s19+s26], $0x1, s28, s26, $0xb8;
	[tilespmem:$0x13000] =	vst v63  }
0x11e: {  	_ =	swait.ge [sflag:s17], $0x200  }
0x11f: {  	[sflag:s17] =	ssyncset.done $0x0  }
0x120: {  	[sflag:s17] =	ssyncadd.s32 $0xFFFFFE00  }
0x121: {  	_ =	swait.ge [sflag:s17], $0x200  }
0x122: {  	[sflag:s17] =	ssyncset.done $0x0  }
0x123: {  	[sflag:s17] =	ssyncadd.s32 $0xFFFFFE00  }
0x124: {  	_ =	swait.ge [sflag:s17], $0x200  }
0x125: {  	[sflag:s17] =	ssyncset.done $0x0  }
0x126: {  	[sflag:s17] =	ssyncadd.s32 $0xFFFFFE00  }
0x127: {  	_ =	swait.ge [sflag:s17], $0x200  }
0x128: {  	[sflag:s17] =	ssyncset.done $0x0  }
0x129: {  	[sflag:s17] =	ssyncadd.s32 $0xFFFFFE00  }
0x12a: {  	_ =	swait.ge [sflag:s17], $0x200  }
0x12b: {  	[sflag:s17] =	ssyncset.done $0x0  }
0x12c: {  	[sflag:s17] =	ssyncadd.s32 $0xFFFFFE00  }
0x12d: {  	_ =	swait.ge [sflag:s17], $0x200  }
0x12e: {  	[sflag:s17] =	ssyncset.done $0x0  }
0x12f: {  	[sflag:s17] =	ssyncadd.s32 $0xFFFFFE00  }
0x130: {  	_ =	swait.ge [sflag:s17], $0x200  }
0x131: {  	[sflag:s17] =	ssyncset.done $0x0  }
0x132: {  	[sflag:s17] =	ssyncadd.s32 $0xFFFFFE00  }
0x133: {  	_ =	swait.ge [sflag:s17], $0x200  }
0x134: {  	[sflag:s17] =	ssyncset.done $0x0  }
0x135: {  	[sflag:s17] =	ssyncadd.s32 $0xFFFFFE00  }
0x136: {  	_ =	swait.ge [sflag:s17], $0x200  }
0x137: {  	[sflag:s17] =	ssyncset.done $0x0  }
0x138: {  	[sflag:s17] =	ssyncadd.s32 $0xFFFFFE00  }
0x139: {  	_ =	swait.ge [sflag:s17], $0x200  }
0x13a: {  	[sflag:s17] =	ssyncset.done $0x0  }
0x13b: {  	[sflag:s17] =	ssyncadd.s32 $0xFFFFFE00  }
0x13c: {  	_ =	swait.ge [sflag:s17], $0x200  }
0x13d: {  	[sflag:s17] =	ssyncset.done $0x0  }
0x13e: {  	[sflag:s17] =	ssyncadd.s32 $0xFFFFFE00  }
0x13f: {  	_ =	swait.ge [sflag:s17], $0x200  }
0x140: {  	[sflag:s17] =	ssyncset.done $0x0  }
0x141: {  	[sflag:s17] =	ssyncadd.s32 $0xFFFFFE00  }
0x142: {  	_ =	swait.ge [sflag:s17], $0x200  }
0x143: {  	[sflag:s17] =	ssyncset.done $0x0  }
0x144: {  	[sflag:s17] =	ssyncadd.s32 $0xFFFFFE00  }
0x145: {  	_ =	swait.ge [sflag:s17], $0x200  }
0x146: {  	[sflag:s17] =	ssyncset.done $0x0  }
0x147: {  	[sflag:s17] =	ssyncadd.s32 $0xFFFFFE00  }
0x148: {  	_ =	swait.ge [sflag:s17], $0x200  }
0x149: {  	[sflag:s17] =	ssyncset.done $0x0  }
0x14a: {  	[sflag:s17] =	ssyncadd.s32 $0xFFFFFE00  }
0x14b: {  	_ =	swait.ge [sflag:s17], $0x200  }
0x14c: {  	[sflag:s17] =	ssyncset.done $0x0  }
0x14d: {  	s24 =	simm.s32 $0x0;
	[sflag:s17] =	ssyncadd.s32 $0xFFFFFE00  }
0x14e: {  	v2 =	vld [tilespmem:s24+$0xD000];
	_ =	sdelay $0x3  }
0x14f: {  	s31 =	simm.s32 $0x10;
	v3 =	vld [tilespmem:s24+$0xC000]  }
0x150: {  	v4 =	vld [tilespmem:s31+$0xD000];
	v2 =	vsub.f32 $1.000000000e+00, v2;
	_ =	sdelay $0x1  }
0x151: {  	v2 =	vmul.f32 $5.110000000e+02, v2;
	_ =	sdelay $0x1  }
0x152: {  	s25 =	simm.s32 $0x20;
	v5 =	vld [tilespmem:s31+$0xC000];
	v3 =	vmul.f32 $5.110000000e+02, v3;
	v2 =	vadd.f32 $1.258291200e+07, v2  }
0x153: {  	v6 =	vld [tilespmem:s25+$0xD000];
	v4 =	vsub.f32 $1.000000000e+00, v4  }
0x154: {  	v3 =	vadd.f32 $1.258291200e+07, v3;
	v2 =	vadd.f32 $-1.258291200e+07, v2  }
0x155: {  	v4 =	vmul.f32 $5.110000000e+02, v4  }
0x156: {  	v3 =	vadd.f32 $-1.258291200e+07, v3;
	v2 =	vmul.f32 $5.120000000e+02, v2  }
0x157: {  	v7 =	vld [tilespmem:s25+$0xC000];
	v5 =	vmul.f32 $5.110000000e+02, v5;
	v4 =	vadd.f32 $1.258291200e+07, v4  }
0x158: {  	v2 =	vadd.f32 v2, v3;
	v3 =	vsub.f32 $1.000000000e+00, v6  }
0x159: {  	s21 =	simm.s32 $0x30;
	v5 =	vadd.f32 $1.258291200e+07, v5;
	v4 =	vadd.f32 $-1.258291200e+07, v4  }
0x15a: {  	v2 =	vadd.f32 v2, v0;
	v6 =	vmul.f32 $5.110000000e+02, v3;
	v3 =	vld [tilespmem:s21+$0xD000]  }
0x15b: {  	v5 =	vadd.f32 $-1.258291200e+07, v5;
	v8 =	vmul.f32 $5.120000000e+02, v4  }
0x15c: {  	v7 =	vmul.f32 $5.110000000e+02, v7;
	v2 =	vtrunc.f32 v2  }
0x15d: {  	s9 =	simm.s32 $0x100;
	v4 =	vld [tilespmem:s21+$0xC000];
	v5 =	vadd.f32 v8, v5;
	v6 =	vadd.f32 $1.258291200e+07, v6;
	v2 =	vcvt.f32.s32 v2  }
.LBB2_9:
0x15e: {  	s4 =	sshra.s32 s9, $0x2  }
0x15f: {  	v8 =	vsub.f32 $1.000000000e+00, v3;
	v7 =	vadd.f32 $1.258291200e+07, v7;
	[tilespmem:s24+$0xE000] =	vst v2;
	s24 =	smov.u32 s31;
	s31 =	smov.u32 s25;
	p0 =	sne.s32 s9, $0x3FC0  }
.Ltmp5:
0x160: {  	s9 =	sadd.s32 $0x40, s9;
	v3 =	vld [tilespmem:s4+$0xD000];
	v2 =	vadd.f32 $-1.258291200e+07, v6;
	v5 =	vadd.f32 v5, v0;
	(pc) =	sbr.rel @p0 .LBB2_9-.Ltmp5, $4  }
0x161: {  	s25 =	smov.u32 s21;
	s21 =	smov.u32 s4;
	v6 =	vmul.f32 $5.110000000e+02, v8  }
0x162: {  	v8 =	vadd.f32 $-1.258291200e+07, v7;
	v9 =	vmul.f32 $5.120000000e+02, v2;
	v2 =	vtrunc.f32 v5  }
0x163: {  	v7 =	vmul.f32 $5.110000000e+02, v4;
	v2 =	vcvt.f32.s32 v2  }
0x164: {  	v6 =	vadd.f32 $1.258291200e+07, v6;
	v4 =	vld [tilespmem:s21+$0xC000];
	v5 =	vadd.f32 v9, v8  }
0x165: {  	v3 =	vsub.f32 $1.000000000e+00, v3;
	_ =	sdelay $0x1  }
0x166: {  	v3 =	vmul.f32 $5.110000000e+02, v3;
	_ =	sdelay $0x1  }
0x167: {  	v4 =	vmul.f32 $5.110000000e+02, v4;
	v3 =	vadd.f32 $1.258291200e+07, v3  }
0x168: {  	v7 =	vadd.f32 $1.258291200e+07, v7;
	v6 =	vadd.f32 $-1.258291200e+07, v6  }
0x169: {  	v4 =	vadd.f32 $1.258291200e+07, v4;
	v3 =	vadd.f32 $-1.258291200e+07, v3  }
0x16a: {  	v7 =	vadd.f32 $-1.258291200e+07, v7;
	v6 =	vmul.f32 $5.120000000e+02, v6  }
0x16b: {  	v4 =	vadd.f32 $-1.258291200e+07, v4;
	v3 =	vmul.f32 $5.120000000e+02, v3  }
0x16c: {  	v6 =	vadd.f32 v6, v7  }
0x16d: {  	v5 =	vadd.f32 v5, v0;
	v3 =	vadd.f32 v3, v4  }
0x16e: {  	v4 =	vadd.f32 v6, v0  }
0x16f: {  	v5 =	vtrunc.f32 v5;
	v3 =	vadd.f32 v3, v0  }
0x170: {  	v5 =	vcvt.f32.s32 v5;
	v4 =	vtrunc.f32 v4  }
0x171: {  	[tilespmem:s24+$0xE000] =	vst v2;
	v2 =	vcvt.f32.s32 v4;
	v3 =	vtrunc.f32 v3  }
0x172: {  	[tilespmem:s31+$0xE000] =	vst v5;
	v3 =	vcvt.f32.s32 v3  }
0x173: {  	[tilespmem:s25+$0xE000] =	vst v2  }
0x174: {  	s4 =	simm.s32 $0xE000;
	s9 =	simm.s32 $0x10000;
	[tilespmem:s21+$0xE000] =	vst v3  }
0x175: {  	[tilespmem:s9], [sflag:$0x4] =	stream.indirect.gather [hbm4b:s5+s26], $0x1, s4, s26, $0xb8;
	[tilespmem:$0x13000] =	vst v63  }
0x176: {  	s14 =	simm.s32 $0x10200;
	s9 =	simm.s32 $0xE200  }
0x177: {  	[tilespmem:s14], [sflag:$0x4] =	stream.indirect.gather [hbm4b:s5+s26], $0x1, s9, s26, $0xb8;
	[tilespmem:$0x13000] =	vst v63  }
0x178: {  	s15 =	simm.s32 $0x10400;
	s14 =	simm.s32 $0xE400  }
0x179: {  	[tilespmem:s15], [sflag:$0x4] =	stream.indirect.gather [hbm4b:s5+s26], $0x1, s14, s26, $0xb8;
	[tilespmem:$0x13000] =	vst v63  }
0x17a: {  	s25 =	simm.s32 $0x10600;
	s15 =	simm.s32 $0xE600  }
0x17b: {  	[tilespmem:s25], [sflag:$0x4] =	stream.indirect.gather [hbm4b:s5+s26], $0x1, s15, s26, $0xb8;
	[tilespmem:$0x13000] =	vst v63  }
0x17c: {  	s28 =	simm.s32 $0x10800;
	s21 =	simm.s32 $0xE800  }
0x17d: {  	[tilespmem:s28], [sflag:$0x4] =	stream.indirect.gather [hbm4b:s5+s26], $0x1, s21, s26, $0xb8;
	[tilespmem:$0x13000] =	vst v63  }
0x17e: {  	s24 =	simm.s32 $0xEA00;
	s31 =	simm.s32 $0x10A00  }
0x17f: {  	[tilespmem:s31], [sflag:$0x4] =	stream.indirect.gather [hbm4b:s5+s26], $0x1, s24, s26, $0xb8;
	[tilespmem:$0x13000] =	vst v63  }
0x180: {  	s28 =	simm.s32 $0x10C00  }
0x181: {  	[tilespmem:s28], [sflag:$0x4] =	stream.indirect.gather [hbm4b:s5+s26], $0x1, s13, s26, $0xb8;
	[tilespmem:$0x13000] =	vst v63  }
0x182: {  	s31 =	simm.s32 $0x10E00  }
0x183: {  	[tilespmem:s31], [sflag:$0x4] =	stream.indirect.gather [hbm4b:s5+s26], $0x1, s20, s26, $0xb8;
	[tilespmem:$0x13000] =	vst v63  }
0x184: {  	s28 =	simm.s32 $0x11000  }
0x185: {  	[tilespmem:s28], [sflag:$0x4] =	stream.indirect.gather [hbm4b:s18+s26], $0x1, s4, s26, $0xb8;
	[tilespmem:$0x13000] =	vst v63  }
0x186: {  	s31 =	simm.s32 $0x11200  }
0x187: {  	[tilespmem:s31], [sflag:$0x4] =	stream.indirect.gather [hbm4b:s18+s26], $0x1, s9, s26, $0xb8;
	[tilespmem:$0x13000] =	vst v63  }
0x188: {  	s28 =	simm.s32 $0x11400  }
0x189: {  	[tilespmem:s28], [sflag:$0x4] =	stream.indirect.gather [hbm4b:s18+s26], $0x1, s14, s26, $0xb8;
	[tilespmem:$0x13000] =	vst v63  }
0x18a: {  	s31 =	simm.s32 $0x11600  }
0x18b: {  	[tilespmem:s31], [sflag:$0x4] =	stream.indirect.gather [hbm4b:s18+s26], $0x1, s15, s26, $0xb8;
	[tilespmem:$0x13000] =	vst v63  }
0x18c: {  	s28 =	simm.s32 $0x11800  }
0x18d: {  	[tilespmem:s28], [sflag:$0x4] =	stream.indirect.gather [hbm4b:s18+s26], $0x1, s21, s26, $0xb8;
	[tilespmem:$0x13000] =	vst v63  }
0x18e: {  	s31 =	simm.s32 $0x11A00  }
0x18f: {  	[tilespmem:s31], [sflag:$0x4] =	stream.indirect.gather [hbm4b:s18+s26], $0x1, s24, s26, $0xb8;
	[tilespmem:$0x13000] =	vst v63  }
0x190: {  	s28 =	simm.s32 $0x11C00  }
0x191: {  	[tilespmem:s28], [sflag:$0x4] =	stream.indirect.gather [hbm4b:s18+s26], $0x1, s13, s26, $0xb8;
	[tilespmem:$0x13000] =	vst v63  }
0x192: {  	s31 =	simm.s32 $0x11E00  }
0x193: {  	[tilespmem:s31], [sflag:$0x4] =	stream.indirect.gather [hbm4b:s18+s26], $0x1, s20, s26, $0xb8;
	[tilespmem:$0x13000] =	vst v63  }
0x194: {  	s28 =	simm.s32 $0x12000  }
0x195: {  	[tilespmem:s28], [sflag:$0x4] =	stream.indirect.gather [hbm4b:s19+s26], $0x1, s4, s26, $0xb8;
	[tilespmem:$0x13000] =	vst v63  }
0x196: {  	s31 =	simm.s32 $0x12200  }
0x197: {  	[tilespmem:s31], [sflag:$0x4] =	stream.indirect.gather [hbm4b:s19+s26], $0x1, s9, s26, $0xb8;
	[tilespmem:$0x13000] =	vst v63  }
0x198: {  	s9 =	simm.s32 $0x12400  }
0x199: {  	[tilespmem:s9], [sflag:$0x4] =	stream.indirect.gather [hbm4b:s19+s26], $0x1, s14, s26, $0xb8;
	[tilespmem:$0x13000] =	vst v63  }
0x19a: {  	s14 =	simm.s32 $0x12600  }
0x19b: {  	[tilespmem:s14], [sflag:$0x4] =	stream.indirect.gather [hbm4b:s19+s26], $0x1, s15, s26, $0xb8;
	[tilespmem:$0x13000] =	vst v63  }
0x19c: {  	s15 =	simm.s32 $0x12800  }
0x19d: {  	[tilespmem:s15], [sflag:$0x4] =	stream.indirect.gather [hbm4b:s19+s26], $0x1, s21, s26, $0xb8;
	[tilespmem:$0x13000] =	vst v63  }
0x19e: {  	s25 =	simm.s32 $0x12A00  }
0x19f: {  	[tilespmem:s25], [sflag:$0x4] =	stream.indirect.gather [hbm4b:s19+s26], $0x1, s24, s26, $0xb8;
	[tilespmem:$0x13000] =	vst v63  }
0x1a0: {  	s28 =	simm.s32 $0x12C00  }
0x1a1: {  	[tilespmem:s28], [sflag:$0x4] =	stream.indirect.gather [hbm4b:s19+s26], $0x1, s13, s26, $0xb8;
	[tilespmem:$0x13000] =	vst v63  }
0x1a2: {  	s31 =	simm.s32 $0x12E00  }
0x1a3: {  	[tilespmem:s31], [sflag:$0x4] =	stream.indirect.gather [hbm4b:s19+s26], $0x1, s20, s26, $0xb8;
	[tilespmem:$0x13000] =	vst v63  }
0x1a4: {  	_ =	swait.ge [sflag:s12], $0x200  }
0x1a5: {  	[sflag:s12] =	ssyncset.done $0x0  }
0x1a6: {  	[sflag:s12] =	ssyncadd.s32 $0xFFFFFE00  }
0x1a7: {  	_ =	swait.ge [sflag:s12], $0x200  }
0x1a8: {  	[sflag:s12] =	ssyncset.done $0x0  }
0x1a9: {  	[sflag:s12] =	ssyncadd.s32 $0xFFFFFE00  }
0x1aa: {  	_ =	swait.ge [sflag:s12], $0x200  }
0x1ab: {  	[sflag:s12] =	ssyncset.done $0x0  }
0x1ac: {  	[sflag:s12] =	ssyncadd.s32 $0xFFFFFE00  }
0x1ad: {  	_ =	swait.ge [sflag:s12], $0x200  }
0x1ae: {  	[sflag:s12] =	ssyncset.done $0x0  }
0x1af: {  	[sflag:s12] =	ssyncadd.s32 $0xFFFFFE00  }
0x1b0: {  	_ =	swait.ge [sflag:s12], $0x200  }
0x1b1: {  	[sflag:s12] =	ssyncset.done $0x0  }
0x1b2: {  	[sflag:s12] =	ssyncadd.s32 $0xFFFFFE00  }
0x1b3: {  	_ =	swait.ge [sflag:s12], $0x200  }
0x1b4: {  	[sflag:s12] =	ssyncset.done $0x0  }
0x1b5: {  	[sflag:s12] =	ssyncadd.s32 $0xFFFFFE00  }
0x1b6: {  	_ =	swait.ge [sflag:s12], $0x200  }
0x1b7: {  	[sflag:s12] =	ssyncset.done $0x0  }
0x1b8: {  	[sflag:s12] =	ssyncadd.s32 $0xFFFFFE00  }
0x1b9: {  	_ =	swait.ge [sflag:s12], $0x200  }
0x1ba: {  	[sflag:s12] =	ssyncset.done $0x0  }
0x1bb: {  	[sflag:s12] =	ssyncadd.s32 $0xFFFFFE00  }
0x1bc: {  	_ =	swait.ge [sflag:s12], $0x200  }
0x1bd: {  	[sflag:s12] =	ssyncset.done $0x0  }
0x1be: {  	[sflag:s12] =	ssyncadd.s32 $0xFFFFFE00  }
0x1bf: {  	_ =	swait.ge [sflag:s12], $0x200  }
0x1c0: {  	[sflag:s12] =	ssyncset.done $0x0  }
0x1c1: {  	[sflag:s12] =	ssyncadd.s32 $0xFFFFFE00  }
0x1c2: {  	_ =	swait.ge [sflag:s12], $0x200  }
0x1c3: {  	[sflag:s12] =	ssyncset.done $0x0  }
0x1c4: {  	[sflag:s12] =	ssyncadd.s32 $0xFFFFFE00  }
0x1c5: {  	_ =	swait.ge [sflag:s12], $0x200  }
0x1c6: {  	[sflag:s12] =	ssyncset.done $0x0  }
0x1c7: {  	[sflag:s12] =	ssyncadd.s32 $0xFFFFFE00  }
0x1c8: {  	_ =	swait.ge [sflag:s12], $0x200  }
0x1c9: {  	[sflag:s12] =	ssyncset.done $0x0  }
0x1ca: {  	[sflag:s12] =	ssyncadd.s32 $0xFFFFFE00  }
0x1cb: {  	_ =	swait.ge [sflag:s12], $0x200  }
0x1cc: {  	[sflag:s12] =	ssyncset.done $0x0  }
0x1cd: {  	[sflag:s12] =	ssyncadd.s32 $0xFFFFFE00  }
0x1ce: {  	_ =	swait.ge [sflag:s12], $0x200  }
0x1cf: {  	[sflag:s12] =	ssyncset.done $0x0  }
0x1d0: {  	[sflag:s12] =	ssyncadd.s32 $0xFFFFFE00  }
0x1d1: {  	_ =	swait.ge [sflag:s12], $0x200  }
0x1d2: {  	[sflag:s12] =	ssyncset.done $0x0  }
0x1d3: {  	[sflag:s12] =	ssyncadd.s32 $0xFFFFFE00  }
0x1d4: {  	_ =	swait.ge [sflag:s12], $0x200  }
0x1d5: {  	[sflag:s12] =	ssyncset.done $0x0  }
0x1d6: {  	[sflag:s12] =	ssyncadd.s32 $0xFFFFFE00  }
0x1d7: {  	_ =	swait.ge [sflag:s12], $0x200  }
0x1d8: {  	[sflag:s12] =	ssyncset.done $0x0  }
0x1d9: {  	[sflag:s12] =	ssyncadd.s32 $0xFFFFFE00  }
0x1da: {  	_ =	swait.ge [sflag:s12], $0x200  }
0x1db: {  	[sflag:s12] =	ssyncset.done $0x0  }
0x1dc: {  	[sflag:s12] =	ssyncadd.s32 $0xFFFFFE00  }
0x1dd: {  	_ =	swait.ge [sflag:s12], $0x200  }
0x1de: {  	[sflag:s12] =	ssyncset.done $0x0  }
0x1df: {  	[sflag:s12] =	ssyncadd.s32 $0xFFFFFE00  }
0x1e0: {  	_ =	swait.ge [sflag:s12], $0x200  }
0x1e1: {  	[sflag:s12] =	ssyncset.done $0x0  }
0x1e2: {  	[sflag:s12] =	ssyncadd.s32 $0xFFFFFE00  }
0x1e3: {  	_ =	swait.ge [sflag:s12], $0x200  }
0x1e4: {  	[sflag:s12] =	ssyncset.done $0x0  }
0x1e5: {  	[sflag:s12] =	ssyncadd.s32 $0xFFFFFE00  }
0x1e6: {  	_ =	swait.ge [sflag:s12], $0x200  }
0x1e7: {  	[sflag:s12] =	ssyncset.done $0x0  }
0x1e8: {  	[sflag:s12] =	ssyncadd.s32 $0xFFFFFE00  }
0x1e9: {  	_ =	swait.ge [sflag:s12], $0x200  }
0x1ea: {  	[sflag:s12] =	ssyncset.done $0x0  }
0x1eb: {  	s21 =	simm.s32 $0x0;
	[sflag:s12] =	ssyncadd.s32 $0xFFFFFE00  }
0x1ec: {  	v2 =	vld [tilespmem:s21+$0x7000]  }
0x1ed: {  	v4 =	vld [tilespmem:s21+$0x8000]  }
0x1ee: {  	s9 =	simm.s32 $0x40;
	v3 =	vld [tilespmem:s21+$0x9000]  }
.LBB2_11:
0x1ef: {  	p0 =	sne.s32 s9, $0x3FC0;
	v5 =	vld [tilespmem:s21+$0xA000];
	_ =	sdelay $0x2  }
.Ltmp6:
0x1f0: {  	v4 =	vmul.f32 v4, v2;
	(pc) =	sbr.rel @p0 .LBB2_11-.Ltmp6, $4  }
0x1f1: {  	s4 =	sshra.s32 s9, $0x2;
	v3 =	vmul.f32 v3, v2  }
0x1f2: {  	[tilespmem:s21+$0x8000] =	vst v4;
	v5 =	vmul.f32 v5, v2;
	v2 =	vld [tilespmem:s4+$0x7000]  }
0x1f3: {  	v4 =	vld [tilespmem:s4+$0x8000];
	[tilespmem:s21+$0x9000] =	vst v3  }
0x1f4: {  	s9 =	sadd.s32 $0x40, s9;
	v3 =	vld [tilespmem:s4+$0x9000];
	[tilespmem:s21+$0xA000] =	vst v5;
	s21 =	smov.u32 s4  }
0x1f5: {  	v5 =	vld [tilespmem:s21+$0xA000];
	_ =	sdelay $0x2  }
0x1f6: {  	s31 =	sshll.u32 s22, $0xD;
	s4 =	rddreg [dreg:$0x4];
	v4 =	vmul.f32 v4, v2  }
0x1f7: {  	s24 =	sor.u32 s4, s31;
	v3 =	vmul.f32 v3, v2  }
0x1f8: {  	s4 =	sor.u32 s7, s24;
	[tilespmem:s21+$0x8000] =	vst v4;
	v2 =	vmul.f32 v5, v2  }
0x1f9: {  	s4 =	sshrl.u32 s4, $0x3;
	[tilespmem:s21+$0x9000] =	vst v3  }
0x1fa: {  	s9 =	simm.s32 $0x8000;
	s4 =	sadd.s32 s2, s4;
	[tilespmem:s21+$0xA000] =	vst v2  }
0x1fb: {  	[hbm4b:s4+s3] =	stream.linear.scatter [tilespmem:s9], [sflag:$0x5], $0x1000, $0x38;
	[tilespmem:$0x13000] =	vst v63  }
0x1fc: {  	s15 =	sor.u32 s10, s24;
	_ =	swait.ge [sflag:s23], $0x1000  }
0x1fd: {  	s4 =	sshrl.u32 s15, $0x3;
	[sflag:s23] =	ssyncset.done $0x0  }
0x1fe: {  	s21 =	simm.s32 $0x9000;
	s4 =	sadd.s32 s2, s4;
	[sflag:s23] =	ssyncadd.s32 $0xFFFFF000  }
0x1ff: {  	[hbm4b:s4+s3] =	stream.linear.scatter [tilespmem:s21], [sflag:$0x5], $0x1000, $0x38;
	[tilespmem:$0x13000] =	vst v63  }
0x200: {  	s28 =	simm.s32 $0xA000;
	s25 =	sor.u32 s11, s24;
	_ =	swait.ge [sflag:s23], $0x1000  }
0x201: {  	p0 =	seq.s32 s22, $0x7;
	s4 =	sshrl.u32 s25, $0x3;
	[sflag:s23] =	ssyncset.done $0x0  }
.Ltmp7:
0x202: {  	s4 =	sadd.s32 s2, s4;
	[sflag:s23] =	ssyncadd.s32 $0xFFFFF000;
	(pc) =	sbr.rel @p0 .LBB2_16-.Ltmp7, $4  }
0x203: {  	[hbm4b:s4+s3] =	stream.linear.scatter [tilespmem:s28], [sflag:$0x5], $0x1000, $0x38;
	[tilespmem:$0x13000] =	vst v63  }
0x204: {  	_ =	swait.ge [sflag:s23], $0x1000  }
0x205: {  	[sflag:s23] =	ssyncset.done $0x0  }
0x206: {  	[sflag:s23] =	ssyncadd.s32 $0xFFFFF000  }
0x207: {  	s4 =	rddreg [dreg:$0xb]  }
0x208: {  	s4 =	sadd.s32 s31, s4  }
0x209: {  	s9 =	sadd.s32 s7, s4  }
0x20a: {  	s9 =	sshrl.u32 s9, $0x3  }
0x20b: {  	s21 =	simm.s32 $0x0;
	s9 =	sadd.s32 s1, s9  }
0x20c: {  	[tilespmem:s21], [sflag:$0x5] =	stream.linear.gather [hbm4b:s9+s21], $0x1000, $0x38;
	[tilespmem:$0x13000] =	vst v63  }
0x20d: {  	s29 =	sadd.s32 s10, s4;
	_ =	swait.ge [sflag:s23], $0x1000  }
0x20e: {  	s9 =	sshrl.u32 s29, $0x3;
	[sflag:s23] =	ssyncset.done $0x0  }
0x20f: {  	s25 =	simm.s32 $0x1000;
	s9 =	sadd.s32 s1, s9;
	[sflag:s23] =	ssyncadd.s32 $0xFFFFF000  }
0x210: {  	[tilespmem:s25], [sflag:$0x5] =	stream.linear.gather [hbm4b:s9+s21], $0x1000, $0x38;
	[tilespmem:$0x13000] =	vst v63  }
0x211: {  	s4 =	sadd.s32 s11, s4;
	_ =	swait.ge [sflag:s23], $0x1000  }
0x212: {  	s4 =	sshrl.u32 s4, $0x3;
	[sflag:s23] =	ssyncset.done $0x0  }
0x213: {  	s30 =	simm.s32 $0x2000;
	s4 =	sadd.s32 s1, s4;
	[sflag:s23] =	ssyncadd.s32 $0xFFFFF000  }
0x214: {  	[tilespmem:s30], [sflag:$0x5] =	stream.linear.gather [hbm4b:s4+s21], $0x1000, $0x38;
	[tilespmem:$0x13000] =	vst v63  }
0x215: {  	_ =	swait.ge [sflag:s23], $0x1000  }
0x216: {  	[sflag:s23] =	ssyncset.done $0x0  }
0x217: {  	s21 =	simm.s32 $0x0;
	[sflag:s23] =	ssyncadd.s32 $0xFFFFF000  }
0x218: {  	v3 =	vld [tilespmem:s21+$0x0];
	_ =	sdelay $0x1  }
0x219: {  	v4 =	vld [tilespmem:s21+$0x2000]  }
0x21a: {  	v2 =	vld [tilespmem:s21+$0x1000]  }
0x21b: {  	s9 =	simm.s32 $0x40  }
.LBB2_14:
0x21c: {  	s4 =	sshra.s32 s9, $0x2;
	p1 =	sne.s32 s9, $0x3FC0;
	s9 =	sadd.s32 $0x40, s9;
	vm0 =	vgt.s32 v3, $0x0;
	vm1 =	vgt.s32 v3, $0x1  }
.Ltmp8:
0x21d: {  	v5 =	vnsel vm1, $0x1, v3;
	v3 =	vld [tilespmem:s4+$0x0];
	v6 =	vsel vm0, $0x3F800000, v1;
	(pc) =	sbr.rel @p1 .LBB2_14-.Ltmp8, $4  }
0x21e: {  	v5 =	vshll.u32 v5, $0x10;
	v7 =	vshll.u32 v4, $0x8;
	[tilespmem:s21+$0x7000] =	vst v6  }
0x21f: {  	v4 =	vld [tilespmem:s4+$0x2000];
	v5 =	vadd.s32 $0xFFFF0000, v5;
	v6 =	vor.u32 v2, v7  }
0x220: {  	v2 =	vld [tilespmem:s4+$0x1000];
	v5 =	vor.u32 v5, v6  }
0x221: {  	[tilespmem:s21+$0x3000] =	vst v5;
	s21 =	smov.u32 s4  }
0x222: {  	vm0 =	vgt.s32 v3, $0x1  }
0x223: {  	v5 =	vnsel vm0, $0x1, v3  }
0x224: {  	vm15 =	vgt.s32 v3, $0x0;
	v3 =	vshll.u32 v5, $0x10;
	v4 =	vshll.u32 v4, $0x8  }
0x225: {  	v63 =	vsel vm15, $0x3F800000, v1;
	v3 =	vadd.s32 $0xFFFF0000, v3;
	v2 =	vor.u32 v2, v4  }
0x226: {  	[tilespmem:s21+$0x7000] =	vst v63;
	v2 =	vor.u32 v3, v2  }
0x227: {  	s4 =	simm.s32 $0x3000;
	s9 =	simm.s32 $0x4000;
	[tilespmem:s21+$0x3000] =	vst v2  }
0x228: {  	[tilespmem:s9], [sflag:$0x1] =	stream.indirect.gather [hbm4b:s6+s26], $0x1, s4, s26, $0xb8;
	[tilespmem:$0x13000] =	vst v63  }
0x229: {  	s28 =	simm.s32 $0x4200;
	s9 =	simm.s32 $0x3200  }
0x22a: {  	[tilespmem:s28], [sflag:$0x1] =	stream.indirect.gather [hbm4b:s6+s26], $0x1, s9, s26, $0xb8;
	[tilespmem:$0x13000] =	vst v63  }
0x22b: {  	s25 =	simm.s32 $0x4400;
	s21 =	simm.s32 $0x3400  }
0x22c: {  	[tilespmem:s25], [sflag:$0x1] =	stream.indirect.gather [hbm4b:s6+s26], $0x1, s21, s26, $0xb8;
	[tilespmem:$0x13000] =	vst v63  }
0x22d: {  	s15 =	simm.s32 $0x4600;
	s25 =	simm.s32 $0x3600  }
0x22e: {  	[tilespmem:s15], [sflag:$0x1] =	stream.indirect.gather [hbm4b:s6+s26], $0x1, s25, s26, $0xb8;
	[tilespmem:$0x13000] =	vst v63  }
0x22f: {  	s28 =	simm.s32 $0x4800;
	s15 =	simm.s32 $0x3800  }
0x230: {  	[tilespmem:s28], [sflag:$0x1] =	stream.indirect.gather [hbm4b:s6+s26], $0x1, s15, s26, $0xb8;
	[tilespmem:$0x13000] =	vst v63  }
0x231: {  	s30 =	simm.s32 $0x4A00;
	s28 =	simm.s32 $0x3A00  }
0x232: {  	[tilespmem:s30], [sflag:$0x1] =	stream.indirect.gather [hbm4b:s6+s26], $0x1, s28, s26, $0xb8;
	[tilespmem:$0x13000] =	vst v63  }
0x233: {  	s14 =	simm.s32 $0x4C00;
	s30 =	simm.s32 $0x3C00  }
0x234: {  	[tilespmem:s14], [sflag:$0x1] =	stream.indirect.gather [hbm4b:s6+s26], $0x1, s30, s26, $0xb8;
	[tilespmem:$0x13000] =	vst v63  }
0x235: {  	s29 =	simm.s32 $0x4E00;
	s14 =	simm.s32 $0x3E00  }
0x236: {  	[tilespmem:s29], [sflag:$0x1] =	stream.indirect.gather [hbm4b:s6+s26], $0x1, s14, s26, $0xb8;
	[tilespmem:$0x13000] =	vst v63  }
0x237: {  	s29 =	simm.s32 $0x5000  }
0x238: {  	[tilespmem:s29], [sflag:$0x1] =	stream.indirect.gather [hbm4b:s8+s26], $0x1, s4, s26, $0xb8;
	[tilespmem:$0x13000] =	vst v63  }
0x239: {  	s4 =	simm.s32 $0x5200  }
0x23a: {  	[tilespmem:s4], [sflag:$0x1] =	stream.indirect.gather [hbm4b:s8+s26], $0x1, s9, s26, $0xb8;
	[tilespmem:$0x13000] =	vst v63  }
0x23b: {  	s9 =	simm.s32 $0x5400  }
0x23c: {  	[tilespmem:s9], [sflag:$0x1] =	stream.indirect.gather [hbm4b:s8+s26], $0x1, s21, s26, $0xb8;
	[tilespmem:$0x13000] =	vst v63  }
0x23d: {  	s21 =	simm.s32 $0x5600  }
0x23e: {  	[tilespmem:s21], [sflag:$0x1] =	stream.indirect.gather [hbm4b:s8+s26], $0x1, s25, s26, $0xb8;
	[tilespmem:$0x13000] =	vst v63  }
0x23f: {  	s9 =	simm.s32 $0x5800  }
0x240: {  	[tilespmem:s9], [sflag:$0x1] =	stream.indirect.gather [hbm4b:s8+s26], $0x1, s15, s26, $0xb8;
	[tilespmem:$0x13000] =	vst v63  }
0x241: {  	s21 =	simm.s32 $0x5A00  }
0x242: {  	[tilespmem:s21], [sflag:$0x1] =	stream.indirect.gather [hbm4b:s8+s26], $0x1, s28, s26, $0xb8;
	[tilespmem:$0x13000] =	vst v63  }
0x243: {  	s25 =	simm.s32 $0x5C00  }
0x244: {  	[tilespmem:s25], [sflag:$0x1] =	stream.indirect.gather [hbm4b:s8+s26], $0x1, s30, s26, $0xb8;
	[tilespmem:$0x13000] =	vst v63  }
0x245: {  	s29 =	simm.s32 $0xB000;
	s28 =	simm.s32 $0x5E00;
	s30 =	simm.s32 $0xC000  }
0x246: {  	[tilespmem:s28], [sflag:$0x1] =	stream.indirect.gather [hbm4b:s8+s26], $0x1, s14, s26, $0xb8;
	[tilespmem:$0x13000] =	vst v63  }
.LBB2_16:
0x247: {  	_ =	swait.ge [sflag:s16], $0x200  }
0x248: {  	[sflag:s16] =	ssyncset.done $0x0  }
0x249: {  	[sflag:s16] =	ssyncadd.s32 $0xFFFFFE00  }
0x24a: {  	_ =	swait.ge [sflag:s16], $0x200  }
0x24b: {  	[sflag:s16] =	ssyncset.done $0x0  }
0x24c: {  	[sflag:s16] =	ssyncadd.s32 $0xFFFFFE00  }
0x24d: {  	_ =	swait.ge [sflag:s16], $0x200  }
0x24e: {  	[sflag:s16] =	ssyncset.done $0x0  }
0x24f: {  	[sflag:s16] =	ssyncadd.s32 $0xFFFFFE00  }
0x250: {  	_ =	swait.ge [sflag:s16], $0x200  }
0x251: {  	[sflag:s16] =	ssyncset.done $0x0  }
0x252: {  	[sflag:s16] =	ssyncadd.s32 $0xFFFFFE00  }
0x253: {  	_ =	swait.ge [sflag:s16], $0x200  }
0x254: {  	[sflag:s16] =	ssyncset.done $0x0  }
0x255: {  	[sflag:s16] =	ssyncadd.s32 $0xFFFFFE00  }
0x256: {  	_ =	swait.ge [sflag:s16], $0x200  }
0x257: {  	[sflag:s16] =	ssyncset.done $0x0  }
0x258: {  	[sflag:s16] =	ssyncadd.s32 $0xFFFFFE00  }
0x259: {  	_ =	swait.ge [sflag:s16], $0x200  }
0x25a: {  	[sflag:s16] =	ssyncset.done $0x0  }
0x25b: {  	[sflag:s16] =	ssyncadd.s32 $0xFFFFFE00  }
0x25c: {  	_ =	swait.ge [sflag:s16], $0x200  }
0x25d: {  	[sflag:s16] =	ssyncset.done $0x0  }
0x25e: {  	[sflag:s16] =	ssyncadd.s32 $0xFFFFFE00  }
0x25f: {  	_ =	swait.ge [sflag:s16], $0x200  }
0x260: {  	[sflag:s16] =	ssyncset.done $0x0  }
0x261: {  	[sflag:s16] =	ssyncadd.s32 $0xFFFFFE00  }
0x262: {  	_ =	swait.ge [sflag:s16], $0x200  }
0x263: {  	[sflag:s16] =	ssyncset.done $0x0  }
0x264: {  	[sflag:s16] =	ssyncadd.s32 $0xFFFFFE00  }
0x265: {  	_ =	swait.ge [sflag:s16], $0x200  }
0x266: {  	[sflag:s16] =	ssyncset.done $0x0  }
0x267: {  	[sflag:s16] =	ssyncadd.s32 $0xFFFFFE00  }
0x268: {  	_ =	swait.ge [sflag:s16], $0x200  }
0x269: {  	[sflag:s16] =	ssyncset.done $0x0  }
0x26a: {  	[sflag:s16] =	ssyncadd.s32 $0xFFFFFE00  }
0x26b: {  	_ =	swait.ge [sflag:s16], $0x200  }
0x26c: {  	[sflag:s16] =	ssyncset.done $0x0  }
0x26d: {  	[sflag:s16] =	ssyncadd.s32 $0xFFFFFE00  }
0x26e: {  	_ =	swait.ge [sflag:s16], $0x200  }
0x26f: {  	[sflag:s16] =	ssyncset.done $0x0  }
0x270: {  	[sflag:s16] =	ssyncadd.s32 $0xFFFFFE00  }
0x271: {  	_ =	swait.ge [sflag:s16], $0x200  }
0x272: {  	[sflag:s16] =	ssyncset.done $0x0  }
0x273: {  	[sflag:s16] =	ssyncadd.s32 $0xFFFFFE00  }
0x274: {  	_ =	swait.ge [sflag:s16], $0x200  }
0x275: {  	[sflag:s16] =	ssyncset.done $0x0  }
0x276: {  	[sflag:s16] =	ssyncadd.s32 $0xFFFFFE00  }
0x277: {  	_ =	swait.ge [sflag:s16], $0x200  }
0x278: {  	[sflag:s16] =	ssyncset.done $0x0  }
0x279: {  	[sflag:s16] =	ssyncadd.s32 $0xFFFFFE00  }
0x27a: {  	_ =	swait.ge [sflag:s16], $0x200  }
0x27b: {  	[sflag:s16] =	ssyncset.done $0x0  }
0x27c: {  	[sflag:s16] =	ssyncadd.s32 $0xFFFFFE00  }
0x27d: {  	_ =	swait.ge [sflag:s16], $0x200  }
0x27e: {  	[sflag:s16] =	ssyncset.done $0x0  }
0x27f: {  	[sflag:s16] =	ssyncadd.s32 $0xFFFFFE00  }
0x280: {  	_ =	swait.ge [sflag:s16], $0x200  }
0x281: {  	[sflag:s16] =	ssyncset.done $0x0  }
0x282: {  	[sflag:s16] =	ssyncadd.s32 $0xFFFFFE00  }
0x283: {  	_ =	swait.ge [sflag:s16], $0x200  }
0x284: {  	[sflag:s16] =	ssyncset.done $0x0  }
0x285: {  	[sflag:s16] =	ssyncadd.s32 $0xFFFFFE00  }
0x286: {  	_ =	swait.ge [sflag:s16], $0x200  }
0x287: {  	[sflag:s16] =	ssyncset.done $0x0  }
0x288: {  	[sflag:s16] =	ssyncadd.s32 $0xFFFFFE00  }
0x289: {  	_ =	swait.ge [sflag:s16], $0x200  }
0x28a: {  	[sflag:s16] =	ssyncset.done $0x0  }
0x28b: {  	[sflag:s16] =	ssyncadd.s32 $0xFFFFFE00  }
0x28c: {  	_ =	swait.ge [sflag:s16], $0x200  }
0x28d: {  	[sflag:s16] =	ssyncset.done $0x0  }
0x28e: {  	s21 =	simm.s32 $0x0;
	[sflag:s16] =	ssyncadd.s32 $0xFFFFFE00  }
0x28f: {  	v2 =	vld [tilespmem:s21+$0xF000]  }
0x290: {  	v3 =	vld [tilespmem:s21+$0x10000]  }
0x291: {  	s9 =	simm.s32 $0x40;
	v4 =	vld [tilespmem:s21+$0x11000]  }
.LBB2_17:
0x292: {  	p1 =	sne.s32 s9, $0x3FC0;
	v5 =	vld [tilespmem:s21+$0x12000];
	_ =	sdelay $0x2  }
.Ltmp9:
0x293: {  	v3 =	vmul.f32 v3, v2;
	(pc) =	sbr.rel @p1 .LBB2_17-.Ltmp9, $4  }
0x294: {  	s4 =	sshra.s32 s9, $0x2;
	v4 =	vmul.f32 v4, v2  }
0x295: {  	[tilespmem:s21+$0x10000] =	vst v3;
	v5 =	vmul.f32 v5, v2;
	v2 =	vld [tilespmem:s4+$0xF000]  }
0x296: {  	v3 =	vld [tilespmem:s4+$0x10000];
	[tilespmem:s21+$0x11000] =	vst v4  }
0x297: {  	s9 =	sadd.s32 $0x40, s9;
	v4 =	vld [tilespmem:s4+$0x11000];
	[tilespmem:s21+$0x12000] =	vst v5;
	s21 =	smov.u32 s4  }
0x298: {  	v5 =	vld [tilespmem:s21+$0x12000];
	_ =	sdelay $0x2  }
0x299: {  	v3 =	vmul.f32 v3, v2  }
0x29a: {  	s4 =	sor.u32 $0x1000, s24;
	v4 =	vmul.f32 v4, v2  }
0x29b: {  	s9 =	sor.u32 s7, s4;
	[tilespmem:s21+$0x10000] =	vst v3;
	v2 =	vmul.f32 v5, v2  }
0x29c: {  	s9 =	sshrl.u32 s9, $0x3;
	[tilespmem:s21+$0x11000] =	vst v4  }
0x29d: {  	s14 =	simm.s32 $0x10000;
	s9 =	sadd.s32 s2, s9;
	[tilespmem:s21+$0x12000] =	vst v2  }
0x29e: {  	[hbm4b:s9+s3] =	stream.linear.scatter [tilespmem:s14], [sflag:$0x5], $0x1000, $0x38;
	[tilespmem:$0x13000] =	vst v63  }
0x29f: {  	s24 =	sor.u32 s10, s4;
	_ =	swait.ge [sflag:s23], $0x1000  }
0x2a0: {  	s9 =	sshrl.u32 s24, $0x3;
	[sflag:s23] =	ssyncset.done $0x0  }
0x2a1: {  	s25 =	simm.s32 $0x11000;
	s9 =	sadd.s32 s2, s9;
	[sflag:s23] =	ssyncadd.s32 $0xFFFFF000  }
0x2a2: {  	[hbm4b:s9+s3] =	stream.linear.scatter [tilespmem:s25], [sflag:$0x5], $0x1000, $0x38;
	[tilespmem:$0x13000] =	vst v63  }
0x2a3: {  	s4 =	sor.u32 s11, s4;
	_ =	swait.ge [sflag:s23], $0x1000  }
0x2a4: {  	s28 =	simm.s32 $0x12000;
	s4 =	sshrl.u32 s4, $0x3;
	[sflag:s23] =	ssyncset.done $0x0  }
.Ltmp10:
0x2a5: {  	s4 =	sadd.s32 s2, s4;
	[sflag:s23] =	ssyncadd.s32 $0xFFFFF000;
	(pc) =	sbr.rel @p0 .LBB2_22-.Ltmp10, $4  }
0x2a6: {  	[hbm4b:s4+s3] =	stream.linear.scatter [tilespmem:s28], [sflag:$0x5], $0x1000, $0x38;
	[tilespmem:$0x13000] =	vst v63  }
0x2a7: {  	_ =	swait.ge [sflag:s23], $0x1000  }
0x2a8: {  	[sflag:s23] =	ssyncset.done $0x0  }
0x2a9: {  	[sflag:s23] =	ssyncadd.s32 $0xFFFFF000  }
0x2aa: {  	s4 =	rddreg [dreg:$0xc]  }
0x2ab: {  	s4 =	sadd.s32 s31, s4  }
0x2ac: {  	s9 =	sadd.s32 s7, s4  }
0x2ad: {  	s9 =	sshrl.u32 s9, $0x3  }
0x2ae: {  	s21 =	simm.s32 $0x0;
	s9 =	sadd.s32 s1, s9  }
0x2af: {  	[tilespmem:s21], [sflag:$0x5] =	stream.linear.gather [hbm4b:s9+s21], $0x1000, $0x38;
	[tilespmem:$0x13000] =	vst v63  }
0x2b0: {  	s28 =	sadd.s32 s10, s4;
	_ =	swait.ge [sflag:s23], $0x1000  }
0x2b1: {  	s9 =	sshrl.u32 s28, $0x3;
	[sflag:s23] =	ssyncset.done $0x0  }
0x2b2: {  	s24 =	simm.s32 $0x1000;
	s9 =	sadd.s32 s1, s9;
	[sflag:s23] =	ssyncadd.s32 $0xFFFFF000  }
0x2b3: {  	[tilespmem:s24], [sflag:$0x5] =	stream.linear.gather [hbm4b:s9+s21], $0x1000, $0x38;
	[tilespmem:$0x13000] =	vst v63  }
0x2b4: {  	s4 =	sadd.s32 s11, s4;
	_ =	swait.ge [sflag:s23], $0x1000  }
0x2b5: {  	s4 =	sshrl.u32 s4, $0x3;
	[sflag:s23] =	ssyncset.done $0x0  }
0x2b6: {  	s31 =	simm.s32 $0x2000;
	s4 =	sadd.s32 s1, s4;
	[sflag:s23] =	ssyncadd.s32 $0xFFFFF000  }
0x2b7: {  	[tilespmem:s31], [sflag:$0x5] =	stream.linear.gather [hbm4b:s4+s21], $0x1000, $0x38;
	[tilespmem:$0x13000] =	vst v63  }
0x2b8: {  	_ =	swait.ge [sflag:s23], $0x1000  }
0x2b9: {  	[sflag:s23] =	ssyncset.done $0x0  }
0x2ba: {  	s21 =	simm.s32 $0x0;
	[sflag:s23] =	ssyncadd.s32 $0xFFFFF000  }
0x2bb: {  	v3 =	vld [tilespmem:s21+$0x0];
	_ =	sdelay $0x1  }
0x2bc: {  	v4 =	vld [tilespmem:s21+$0x2000]  }
0x2bd: {  	v2 =	vld [tilespmem:s21+$0x1000]  }
0x2be: {  	s9 =	simm.s32 $0x40  }
.LBB2_20:
0x2bf: {  	s4 =	sshra.s32 s9, $0x2;
	p0 =	sne.s32 s9, $0x3FC0;
	s9 =	sadd.s32 $0x40, s9;
	vm0 =	vgt.s32 v3, $0x0;
	vm1 =	vgt.s32 v3, $0x1  }
.Ltmp11:
0x2c0: {  	v5 =	vnsel vm1, $0x1, v3;
	v3 =	vld [tilespmem:s4+$0x0];
	v6 =	vsel vm0, $0x3F800000, v1;
	(pc) =	sbr.rel @p0 .LBB2_20-.Ltmp11, $4  }
0x2c1: {  	v5 =	vshll.u32 v5, $0x10;
	v7 =	vshll.u32 v4, $0x8;
	[tilespmem:s21+$0xF000] =	vst v6  }
0x2c2: {  	v4 =	vld [tilespmem:s4+$0x2000];
	v5 =	vadd.s32 $0xFFFF0000, v5;
	v6 =	vor.u32 v2, v7  }
0x2c3: {  	v2 =	vld [tilespmem:s4+$0x1000];
	v5 =	vor.u32 v5, v6  }
0x2c4: {  	[tilespmem:s21+$0xB000] =	vst v5;
	s21 =	smov.u32 s4  }
0x2c5: {  	vm0 =	vgt.s32 v3, $0x1  }
0x2c6: {  	v5 =	vnsel vm0, $0x1, v3  }
0x2c7: {  	vm15 =	vgt.s32 v3, $0x0;
	v3 =	vshll.u32 v5, $0x10;
	v4 =	vshll.u32 v4, $0x8  }
0x2c8: {  	v63 =	vsel vm15, $0x3F800000, v1;
	v3 =	vadd.s32 $0xFFFF0000, v3;
	v2 =	vor.u32 v2, v4  }
0x2c9: {  	[tilespmem:s21+$0xF000] =	vst v63;
	v2 =	vor.u32 v3, v2  }
0x2ca: {  	[tilespmem:s21+$0xB000] =	vst v2  }
0x2cb: {  	[tilespmem:s30], [sflag:$0x2] =	stream.indirect.gather [hbm4b:s6+s26], $0x1, s29, s26, $0xb8;
	[tilespmem:$0x13000] =	vst v63  }
0x2cc: {  	s4 =	simm.s32 $0xB200;
	s9 =	simm.s32 $0xC200  }
0x2cd: {  	[tilespmem:s9], [sflag:$0x2] =	stream.indirect.gather [hbm4b:s6+s26], $0x1, s4, s26, $0xb8;
	[tilespmem:$0x13000] =	vst v63  }
0x2ce: {  	s14 =	simm.s32 $0xC400;
	s9 =	simm.s32 $0xB400  }
0x2cf: {  	[tilespmem:s14], [sflag:$0x2] =	stream.indirect.gather [hbm4b:s6+s26], $0x1, s9, s26, $0xb8;
	[tilespmem:$0x13000] =	vst v63  }
0x2d0: {  	s15 =	simm.s32 $0xC600;
	s14 =	simm.s32 $0xB600  }
0x2d1: {  	[tilespmem:s15], [sflag:$0x2] =	stream.indirect.gather [hbm4b:s6+s26], $0x1, s14, s26, $0xb8;
	[tilespmem:$0x13000] =	vst v63  }
0x2d2: {  	s28 =	simm.s32 $0xC800;
	s15 =	simm.s32 $0xB800  }
0x2d3: {  	[tilespmem:s28], [sflag:$0x2] =	stream.indirect.gather [hbm4b:s6+s26], $0x1, s15, s26, $0xb8;
	[tilespmem:$0x13000] =	vst v63  }
0x2d4: {  	s24 =	simm.s32 $0xCA00;
	s21 =	simm.s32 $0xBA00  }
0x2d5: {  	[tilespmem:s24], [sflag:$0x2] =	stream.indirect.gather [hbm4b:s6+s26], $0x1, s21, s26, $0xb8;
	[tilespmem:$0x13000] =	vst v63  }
0x2d6: {  	s25 =	simm.s32 $0xCC00;
	s24 =	simm.s32 $0xBC00  }
0x2d7: {  	[tilespmem:s25], [sflag:$0x2] =	stream.indirect.gather [hbm4b:s6+s26], $0x1, s24, s26, $0xb8;
	[tilespmem:$0x13000] =	vst v63  }
0x2d8: {  	s28 =	simm.s32 $0xCE00;
	s25 =	simm.s32 $0xBE00  }
0x2d9: {  	[tilespmem:s28], [sflag:$0x2] =	stream.indirect.gather [hbm4b:s6+s26], $0x1, s25, s26, $0xb8;
	[tilespmem:$0x13000] =	vst v63  }
0x2da: {  	s31 =	simm.s32 $0xD000  }
0x2db: {  	[tilespmem:s31], [sflag:$0x2] =	stream.indirect.gather [hbm4b:s8+s26], $0x1, s29, s26, $0xb8;
	[tilespmem:$0x13000] =	vst v63  }
0x2dc: {  	s31 =	simm.s32 $0xD200  }
0x2dd: {  	[tilespmem:s31], [sflag:$0x2] =	stream.indirect.gather [hbm4b:s8+s26], $0x1, s4, s26, $0xb8;
	[tilespmem:$0x13000] =	vst v63  }
0x2de: {  	s31 =	simm.s32 $0xD400  }
0x2df: {  	[tilespmem:s31], [sflag:$0x2] =	stream.indirect.gather [hbm4b:s8+s26], $0x1, s9, s26, $0xb8;
	[tilespmem:$0x13000] =	vst v63  }
0x2e0: {  	s9 =	simm.s32 $0xD600  }
0x2e1: {  	[tilespmem:s9], [sflag:$0x2] =	stream.indirect.gather [hbm4b:s8+s26], $0x1, s14, s26, $0xb8;
	[tilespmem:$0x13000] =	vst v63  }
0x2e2: {  	s14 =	simm.s32 $0xD800  }
0x2e3: {  	[tilespmem:s14], [sflag:$0x2] =	stream.indirect.gather [hbm4b:s8+s26], $0x1, s15, s26, $0xb8;
	[tilespmem:$0x13000] =	vst v63  }
0x2e4: {  	s15 =	simm.s32 $0xDA00  }
0x2e5: {  	[tilespmem:s15], [sflag:$0x2] =	stream.indirect.gather [hbm4b:s8+s26], $0x1, s21, s26, $0xb8;
	[tilespmem:$0x13000] =	vst v63  }
.Ltmp12:
0x2e6: {  	_ = 	snop;
	(pc) =	sbr.rel .LBB2_6-.Ltmp12, $4  }
0x2e7: {  	s28 =	simm.s32 $0xDC00  }
0x2e8: {  	[tilespmem:s28], [sflag:$0x2] =	stream.indirect.gather [hbm4b:s8+s26], $0x1, s24, s26, $0xb8;
	[tilespmem:$0x13000] =	vst v63  }
0x2e9: {  	s22 =	sadd.s32 $0x1, s22;
	s31 =	simm.s32 $0xDE00  }
0x2ea: {  	[tilespmem:s31], [sflag:$0x2] =	stream.indirect.gather [hbm4b:s8+s26], $0x1, s25, s26, $0xb8;
	[tilespmem:$0x13000] =	vst v63  }
.LBB2_23:
0x2eb: {  	_ =	sfence.sel $0x180000  }
0x2ec: {  	[bflag:$0x0] =	sbarrier.arrive $0xFFFF  }
0x2ed: {  	_ =	strace $0x90000047  }
0x2ee: {  	s0 =	stileid.u32;
	[bflag:$0x2] =	sbarrier.arrive $0xFFFF  }
0x2ef: {  	p0 =	sne.s32 s0, $0x0;
	s0 =	rddreg [dreg:$0x3]  }
0x2f0: {  	s0 =	sadd.s32 @!p0 $0x100000, s0  }
0x2f1: {  	[sflag:s0] =	ssyncadd.tile.s32 @!p0 $0x1;
	_ =	shalt  }
.Lfunc_end2:
_tile_overlayer_lowered:
.L_overlay_start_2:
0x2f2: {  	(tag) =	ssettag $0x2  }
0x2f3: {  	s0 =	rddreg [dreg:$0x0];
	s2 =	stileid.u32  }
0x2f4: {  	s1 =	rddreg [dreg:$0x1];
	p0 =	sne.s32 s2, $0x0  }
0x2f5: {  	s3 =	rddreg [dreg:$0x2];
	[bflag:$0x3] =	sbarrier.arrive $0xFFFF;
	s2 =	simm.s32 @!p0 $0x1C05  }
0x2f6: {  	[timem:s3], [sflag:s2] =	dma.local @!p0 [hbm:s0], s1  }
0x2f7: {  	s0 =	simm.s32 @!p0 $0x5  }
0x2f8: {  	_ =	swait.ge @!p0 [sflag:s0], s1  }
0x2f9: {  	s1 =	ssub.s32 @!p0 $0x0, s1;
	[sflag:s0] =	ssyncset.done @!p0 $0x0  }
0x2fa: {  	[sflag:s0] =	ssyncadd.s32 @!p0 s1  }
0x2fb: {  	[bflag:$0x3] =	sbarrier.arrive $0xFFFF  }
0x2fc: {  	_ =	shalt  }

</sc_bundles>
